<compile_context>
chip_gen: v7x
topology: tpu7x:2x2x1
jax: 0.10.2.dev20260603
libtpu: 0.0.44.dev20260713+nightly
codegen_flags: <defaults>
</compile_context>

<pallas_src>
import functools
import jax
import jax.numpy as jnp
from jax import lax
from jax.experimental import pallas as pl
from jax.experimental.pallas import tpu as pltpu
from jax.experimental.pallas import tpu_sc as plsc


def kernel(data, emb):
    B, N, T, F = data.shape
    _, E = emb.shape
    W = F + E
    R = B * N
    NW = 32
    RPW = R // NW
    CHUNK = 5
    NCHUNK = RPW // CHUNK

    G = W // F
    flat = data.reshape(R, T, F)
    embv = emb.reshape(T, G - 1, F)
    mesh = plsc.VectorSubcoreMesh(
        core_axis_name="c", subcore_axis_name="s", num_cores=2, num_subcores=16
    )

    @functools.partial(
        pl.kernel,
        mesh=mesh,
        out_type=jax.ShapeDtypeStruct((R, T, G, F), jnp.float32),
        scratch_types=[pltpu.VMEM((CHUNK, T, G, F), jnp.float32)],
        compiler_params=pltpu.CompilerParams(use_tc_tiling_on_sc=False),
    )
    def sc_k(data_hbm, emb_hbm, out_hbm, outbuf):
        wid = lax.axis_index("s") * 2 + lax.axis_index("c")
        base = wid * RPW
        for c in range(CHUNK):
            pltpu.sync_copy(emb_hbm, outbuf.at[c, :, pl.ds(1, G - 1)])

        def body(g, carry):
            row = base + g * CHUNK
            pltpu.sync_copy(
                data_hbm.at[pl.ds(row, CHUNK)], outbuf.at[:, :, 0]
            )
            pltpu.sync_copy(outbuf, out_hbm.at[pl.ds(row, CHUNK)])
            return carry

        lax.fori_loop(0, NCHUNK, body, 0)

    out = sc_k(flat, embv)
    return out.reshape(B, N, T, W)

# --- scband reference (transcript-rebuilt; emitter-appended) ---
"""Pipeline reference for scband-learnable-time-embedding-17368847745395 (READ-ONLY COPY).

The authoritative reference and input builder live on the scoring server;
editing this copy changes nothing except your own understanding.
"""

import jax, jax.numpy as jnp
import numpy as np


def setup_inputs(seed: int = 0) -> dict:
    key = jax.random.key(seed)
    k1, k2 = jax.random.split(key)
    data = jax.random.normal(k1, (4, 5000, 64, 16), dtype=jnp.float32)
    # learned parameter: nn.Embedding(timesteps=64, embedding_dim=32) weight
    emb = jax.random.normal(k2, (64, 32), dtype=jnp.float32) * 0.02
    return {"data": data, "emb": emb}


def reference(data, emb):
    # Faithful translation of learnable_time_embedding.forward:
    #   time_indices = arange(T) expanded to [B, N, T]
    #   embedded = Embedding(time_indices) -> [B, N, T, E] (squeeze(3) is a no-op for E>1)
    #   out = cat([data, embedded], dim=-1) -> [B, N, T, F+E]
    B, N, T = data.shape[0], data.shape[1], data.shape[2]
    time_indices = jnp.broadcast_to(jnp.arange(T, dtype=jnp.int32), (B, N, T))
    time_emb = jnp.take(emb, time_indices, axis=0)
    return jnp.concatenate([data, time_emb], axis=-1)

if __name__ == "__main__":
    import jax
    _d = setup_inputs()
    print(jax.jit(kernel)(*tuple(_d.values())))

</pallas_src>

<mosaic_0001>
#map = affine_map<(d0, d1) -> (0, 0, 0)>
#map1 = affine_map<(d0, d1) -> (0, 0, 0, 0)>
module attributes {stable_mosaic.version = 14 : i64} {
  func.func @sc_k(%arg0: i32, %arg1: i32, %arg2: memref<20000x64x16xf32, #tpu.memory_space<hbm>>, %arg3: memref<64x2x16xf32, #tpu.memory_space<hbm>>, %arg4: memref<20000x64x3x16xf32, #tpu.memory_space<hbm>>, %arg5: memref<5x64x3x16xf32, #tpu.memory_space<vmem>>) attributes {dimension_semantics = [#tpu.dimension_semantics<core_parallel>, #tpu.dimension_semantics<subcore_parallel>], iteration_bounds = array<i64: 2, 16>, scalar_prefetch = 0 : i64, scratch_operands = 1 : i64, tpu.core_type = #tpu.core_type<sc_vector_subcore>, window_params = [{transform_indices = #map}, {transform_indices = #map}, {transform_indices = #map1}]} {
    %mul3A = arith.constant 2 : i32
    %mul3A_0 = arith.muli %arg1, %mul3A : i32
    %add3A = arith.addi %mul3A_0, %arg0 : i32
    %mul3A_1 = arith.constant 625 : i32
    %mul3A_2 = arith.muli %add3A, %mul3A_1 : i32
    %run_scoped3A = arith.constant 0 : i32
    "tpu.region"() ({
      %run_scoped3A_12 = tpu.sem_alloc : memref<!tpu.dma_semaphore, #tpu.memory_space<semaphore_mem>>
      %dma_start3A = arith.constant 0 : i32
      %dma_start3A_13 = arith.constant 1 : i32
      %dma_start3A_14 = arith.constant 0 : i32
      %dma_start3A_15 = tpu.memref_slice %arg5[%run_scoped3A, %dma_start3A, %dma_start3A_13, %dma_start3A_14] : memref<5x64x3x16xf32, #tpu.memory_space<vmem>> -> memref<1x64x2x16xf32, #tpu.memory_space<vmem>>
      %dma_start3A_16 = tpu.memref_squeeze %dma_start3A_15 : memref<1x64x2x16xf32, #tpu.memory_space<vmem>> -> memref<64x2x16xf32, #tpu.memory_space<vmem>>
      %dma_start3A_17 = arith.constant 0 : i32
      %dma_start3A_18 = arith.constant 1 : i32
      %dma_start3A_19 = arith.constant 0 : i32
      %dma_start3A_20 = tpu.memref_slice %arg5[%run_scoped3A, %dma_start3A_17, %dma_start3A_18, %dma_start3A_19] : memref<5x64x3x16xf32, #tpu.memory_space<vmem>> -> memref<1x64x2x16xf32, #tpu.memory_space<vmem>>
      %dma_start3A_21 = tpu.memref_squeeze %dma_start3A_20 : memref<1x64x2x16xf32, #tpu.memory_space<vmem>> -> memref<64x2x16xf32, #tpu.memory_space<vmem>>
      tpu.enqueue_dma source(%arg3 : memref<64x2x16xf32, #tpu.memory_space<hbm>>) target(%dma_start3A_21 : memref<64x2x16xf32, #tpu.memory_space<vmem>>) target_semaphore(%run_scoped3A_12 : memref<!tpu.dma_semaphore, #tpu.memory_space<semaphore_mem>>)
      %dma_wait3A = arith.constant 0 : i32
      %dma_wait3A_22 = arith.constant 1 : i32
      %dma_wait3A_23 = arith.constant 0 : i32
      %dma_wait3A_24 = tpu.memref_slice %arg5[%run_scoped3A, %dma_wait3A, %dma_wait3A_22, %dma_wait3A_23] : memref<5x64x3x16xf32, #tpu.memory_space<vmem>> -> memref<1x64x2x16xf32, #tpu.memory_space<vmem>>
      %dma_wait3A_25 = tpu.memref_squeeze %dma_wait3A_24 : memref<1x64x2x16xf32, #tpu.memory_space<vmem>> -> memref<64x2x16xf32, #tpu.memory_space<vmem>>
      %dma_wait3A_26 = arith.constant 0 : i32
      %dma_wait3A_27 = arith.constant 1 : i32
      %dma_wait3A_28 = arith.constant 0 : i32
      %dma_wait3A_29 = tpu.memref_slice %arg5[%run_scoped3A, %dma_wait3A_26, %dma_wait3A_27, %dma_wait3A_28] : memref<5x64x3x16xf32, #tpu.memory_space<vmem>> -> memref<1x64x2x16xf32, #tpu.memory_space<vmem>>
      %dma_wait3A_30 = tpu.memref_squeeze %dma_wait3A_29 : memref<1x64x2x16xf32, #tpu.memory_space<vmem>> -> memref<64x2x16xf32, #tpu.memory_space<vmem>>
      tpu.wait_dma2 semaphore(%run_scoped3A_12 : memref<!tpu.dma_semaphore, #tpu.memory_space<semaphore_mem>>) src(%arg3 : memref<64x2x16xf32, #tpu.memory_space<hbm>>) dst(%dma_wait3A_30 : memref<64x2x16xf32, #tpu.memory_space<vmem>>)
      tpu.yield
    }) : () -> ()
    %run_scoped3A_3 = arith.constant 1 : i32
    "tpu.region"() ({
      %run_scoped3A_12 = tpu.sem_alloc : memref<!tpu.dma_semaphore, #tpu.memory_space<semaphore_mem>>
      %dma_start3A = arith.constant 0 : i32
      %dma_start3A_13 = arith.constant 1 : i32
      %dma_start3A_14 = arith.constant 0 : i32
      %dma_start3A_15 = tpu.memref_slice %arg5[%run_scoped3A_3, %dma_start3A, %dma_start3A_13, %dma_start3A_14] : memref<5x64x3x16xf32, #tpu.memory_space<vmem>> -> memref<1x64x2x16xf32, #tpu.memory_space<vmem>>
      %dma_start3A_16 = tpu.memref_squeeze %dma_start3A_15 : memref<1x64x2x16xf32, #tpu.memory_space<vmem>> -> memref<64x2x16xf32, #tpu.memory_space<vmem>>
      %dma_start3A_17 = arith.constant 0 : i32
      %dma_start3A_18 = arith.constant 1 : i32
      %dma_start3A_19 = arith.constant 0 : i32
      %dma_start3A_20 = tpu.memref_slice %arg5[%run_scoped3A_3, %dma_start3A_17, %dma_start3A_18, %dma_start3A_19] : memref<5x64x3x16xf32, #tpu.memory_space<vmem>> -> memref<1x64x2x16xf32, #tpu.memory_space<vmem>>
      %dma_start3A_21 = tpu.memref_squeeze %dma_start3A_20 : memref<1x64x2x16xf32, #tpu.memory_space<vmem>> -> memref<64x2x16xf32, #tpu.memory_space<vmem>>
      tpu.enqueue_dma source(%arg3 : memref<64x2x16xf32, #tpu.memory_space<hbm>>) target(%dma_start3A_21 : memref<64x2x16xf32, #tpu.memory_space<vmem>>) target_semaphore(%run_scoped3A_12 : memref<!tpu.dma_semaphore, #tpu.memory_space<semaphore_mem>>)
      %dma_wait3A = arith.constant 0 : i32
      %dma_wait3A_22 = arith.constant 1 : i32
      %dma_wait3A_23 = arith.constant 0 : i32
      %dma_wait3A_24 = tpu.memref_slice %arg5[%run_scoped3A_3, %dma_wait3A, %dma_wait3A_22, %dma_wait3A_23] : memref<5x64x3x16xf32, #tpu.memory_space<vmem>> -> memref<1x64x2x16xf32, #tpu.memory_space<vmem>>
      %dma_wait3A_25 = tpu.memref_squeeze %dma_wait3A_24 : memref<1x64x2x16xf32, #tpu.memory_space<vmem>> -> memref<64x2x16xf32, #tpu.memory_space<vmem>>
      %dma_wait3A_26 = arith.constant 0 : i32
      %dma_wait3A_27 = arith.constant 1 : i32
      %dma_wait3A_28 = arith.constant 0 : i32
      %dma_wait3A_29 = tpu.memref_slice %arg5[%run_scoped3A_3, %dma_wait3A_26, %dma_wait3A_27, %dma_wait3A_28] : memref<5x64x3x16xf32, #tpu.memory_space<vmem>> -> memref<1x64x2x16xf32, #tpu.memory_space<vmem>>
      %dma_wait3A_30 = tpu.memref_squeeze %dma_wait3A_29 : memref<1x64x2x16xf32, #tpu.memory_space<vmem>> -> memref<64x2x16xf32, #tpu.memory_space<vmem>>
      tpu.wait_dma2 semaphore(%run_scoped3A_12 : memref<!tpu.dma_semaphore, #tpu.memory_space<semaphore_mem>>) src(%arg3 : memref<64x2x16xf32, #tpu.memory_space<hbm>>) dst(%dma_wait3A_30 : memref<64x2x16xf32, #tpu.memory_space<vmem>>)
      tpu.yield
    }) : () -> ()
    %run_scoped3A_4 = arith.constant 2 : i32
    "tpu.region"() ({
      %run_scoped3A_12 = tpu.sem_alloc : memref<!tpu.dma_semaphore, #tpu.memory_space<semaphore_mem>>
      %dma_start3A = arith.constant 0 : i32
      %dma_start3A_13 = arith.constant 1 : i32
      %dma_start3A_14 = arith.constant 0 : i32
      %dma_start3A_15 = tpu.memref_slice %arg5[%run_scoped3A_4, %dma_start3A, %dma_start3A_13, %dma_start3A_14] : memref<5x64x3x16xf32, #tpu.memory_space<vmem>> -> memref<1x64x2x16xf32, #tpu.memory_space<vmem>>
      %dma_start3A_16 = tpu.memref_squeeze %dma_start3A_15 : memref<1x64x2x16xf32, #tpu.memory_space<vmem>> -> memref<64x2x16xf32, #tpu.memory_space<vmem>>
      %dma_start3A_17 = arith.constant 0 : i32
      %dma_start3A_18 = arith.constant 1 : i32
      %dma_start3A_19 = arith.constant 0 : i32
      %dma_start3A_20 = tpu.memref_slice %arg5[%run_scoped3A_4, %dma_start3A_17, %dma_start3A_18, %dma_start3A_19] : memref<5x64x3x16xf32, #tpu.memory_space<vmem>> -> memref<1x64x2x16xf32, #tpu.memory_space<vmem>>
      %dma_start3A_21 = tpu.memref_squeeze %dma_start3A_20 : memref<1x64x2x16xf32, #tpu.memory_space<vmem>> -> memref<64x2x16xf32, #tpu.memory_space<vmem>>
      tpu.enqueue_dma source(%arg3 : memref<64x2x16xf32, #tpu.memory_space<hbm>>) target(%dma_start3A_21 : memref<64x2x16xf32, #tpu.memory_space<vmem>>) target_semaphore(%run_scoped3A_12 : memref<!tpu.dma_semaphore, #tpu.memory_space<semaphore_mem>>)
      %dma_wait3A = arith.constant 0 : i32
      %dma_wait3A_22 = arith.constant 1 : i32
      %dma_wait3A_23 = arith.constant 0 : i32
      %dma_wait3A_24 = tpu.memref_slice %arg5[%run_scoped3A_4, %dma_wait3A, %dma_wait3A_22, %dma_wait3A_23] : memref<5x64x3x16xf32, #tpu.memory_space<vmem>> -> memref<1x64x2x16xf32, #tpu.memory_space<vmem>>
      %dma_wait3A_25 = tpu.memref_squeeze %dma_wait3A_24 : memref<1x64x2x16xf32, #tpu.memory_space<vmem>> -> memref<64x2x16xf32, #tpu.memory_space<vmem>>
      %dma_wait3A_26 = arith.constant 0 : i32
      %dma_wait3A_27 = arith.constant 1 : i32
      %dma_wait3A_28 = arith.constant 0 : i32
      %dma_wait3A_29 = tpu.memref_slice %arg5[%run_scoped3A_4, %dma_wait3A_26, %dma_wait3A_27, %dma_wait3A_28] : memref<5x64x3x16xf32, #tpu.memory_space<vmem>> -> memref<1x64x2x16xf32, #tpu.memory_space<vmem>>
      %dma_wait3A_30 = tpu.memref_squeeze %dma_wait3A_29 : memref<1x64x2x16xf32, #tpu.memory_space<vmem>> -> memref<64x2x16xf32, #tpu.memory_space<vmem>>
      tpu.wait_dma2 semaphore(%run_scoped3A_12 : memref<!tpu.dma_semaphore, #tpu.memory_space<semaphore_mem>>) src(%arg3 : memref<64x2x16xf32, #tpu.memory_space<hbm>>) dst(%dma_wait3A_30 : memref<64x2x16xf32, #tpu.memory_space<vmem>>)
      tpu.yield
    }) : () -> ()
    %run_scoped3A_5 = arith.constant 3 : i32
    "tpu.region"() ({
      %run_scoped3A_12 = tpu.sem_alloc : memref<!tpu.dma_semaphore, #tpu.memory_space<semaphore_mem>>
      %dma_start3A = arith.constant 0 : i32
      %dma_start3A_13 = arith.constant 1 : i32
      %dma_start3A_14 = arith.constant 0 : i32
      %dma_start3A_15 = tpu.memref_slice %arg5[%run_scoped3A_5, %dma_start3A, %dma_start3A_13, %dma_start3A_14] : memref<5x64x3x16xf32, #tpu.memory_space<vmem>> -> memref<1x64x2x16xf32, #tpu.memory_space<vmem>>
      %dma_start3A_16 = tpu.memref_squeeze %dma_start3A_15 : memref<1x64x2x16xf32, #tpu.memory_space<vmem>> -> memref<64x2x16xf32, #tpu.memory_space<vmem>>
      %dma_start3A_17 = arith.constant 0 : i32
      %dma_start3A_18 = arith.constant 1 : i32
      %dma_start3A_19 = arith.constant 0 : i32
      %dma_start3A_20 = tpu.memref_slice %arg5[%run_scoped3A_5, %dma_start3A_17, %dma_start3A_18, %dma_start3A_19] : memref<5x64x3x16xf32, #tpu.memory_space<vmem>> -> memref<1x64x2x16xf32, #tpu.memory_space<vmem>>
      %dma_start3A_21 = tpu.memref_squeeze %dma_start3A_20 : memref<1x64x2x16xf32, #tpu.memory_space<vmem>> -> memref<64x2x16xf32, #tpu.memory_space<vmem>>
      tpu.enqueue_dma source(%arg3 : memref<64x2x16xf32, #tpu.memory_space<hbm>>) target(%dma_start3A_21 : memref<64x2x16xf32, #tpu.memory_space<vmem>>) target_semaphore(%run_scoped3A_12 : memref<!tpu.dma_semaphore, #tpu.memory_space<semaphore_mem>>)
      %dma_wait3A = arith.constant 0 : i32
      %dma_wait3A_22 = arith.constant 1 : i32
      %dma_wait3A_23 = arith.constant 0 : i32
      %dma_wait3A_24 = tpu.memref_slice %arg5[%run_scoped3A_5, %dma_wait3A, %dma_wait3A_22, %dma_wait3A_23] : memref<5x64x3x16xf32, #tpu.memory_space<vmem>> -> memref<1x64x2x16xf32, #tpu.memory_space<vmem>>
      %dma_wait3A_25 = tpu.memref_squeeze %dma_wait3A_24 : memref<1x64x2x16xf32, #tpu.memory_space<vmem>> -> memref<64x2x16xf32, #tpu.memory_space<vmem>>
      %dma_wait3A_26 = arith.constant 0 : i32
      %dma_wait3A_27 = arith.constant 1 : i32
      %dma_wait3A_28 = arith.constant 0 : i32
      %dma_wait3A_29 = tpu.memref_slice %arg5[%run_scoped3A_5, %dma_wait3A_26, %dma_wait3A_27, %dma_wait3A_28] : memref<5x64x3x16xf32, #tpu.memory_space<vmem>> -> memref<1x64x2x16xf32, #tpu.memory_space<vmem>>
      %dma_wait3A_30 = tpu.memref_squeeze %dma_wait3A_29 : memref<1x64x2x16xf32, #tpu.memory_space<vmem>> -> memref<64x2x16xf32, #tpu.memory_space<vmem>>
      tpu.wait_dma2 semaphore(%run_scoped3A_12 : memref<!tpu.dma_semaphore, #tpu.memory_space<semaphore_mem>>) src(%arg3 : memref<64x2x16xf32, #tpu.memory_space<hbm>>) dst(%dma_wait3A_30 : memref<64x2x16xf32, #tpu.memory_space<vmem>>)
      tpu.yield
    }) : () -> ()
    %run_scoped3A_6 = arith.constant 4 : i32
    "tpu.region"() ({
      %run_scoped3A_12 = tpu.sem_alloc : memref<!tpu.dma_semaphore, #tpu.memory_space<semaphore_mem>>
      %dma_start3A = arith.constant 0 : i32
      %dma_start3A_13 = arith.constant 1 : i32
      %dma_start3A_14 = arith.constant 0 : i32
      %dma_start3A_15 = tpu.memref_slice %arg5[%run_scoped3A_6, %dma_start3A, %dma_start3A_13, %dma_start3A_14] : memref<5x64x3x16xf32, #tpu.memory_space<vmem>> -> memref<1x64x2x16xf32, #tpu.memory_space<vmem>>
      %dma_start3A_16 = tpu.memref_squeeze %dma_start3A_15 : memref<1x64x2x16xf32, #tpu.memory_space<vmem>> -> memref<64x2x16xf32, #tpu.memory_space<vmem>>
      %dma_start3A_17 = arith.constant 0 : i32
      %dma_start3A_18 = arith.constant 1 : i32
      %dma_start3A_19 = arith.constant 0 : i32
      %dma_start3A_20 = tpu.memref_slice %arg5[%run_scoped3A_6, %dma_start3A_17, %dma_start3A_18, %dma_start3A_19] : memref<5x64x3x16xf32, #tpu.memory_space<vmem>> -> memref<1x64x2x16xf32, #tpu.memory_space<vmem>>
      %dma_start3A_21 = tpu.memref_squeeze %dma_start3A_20 : memref<1x64x2x16xf32, #tpu.memory_space<vmem>> -> memref<64x2x16xf32, #tpu.memory_space<vmem>>
      tpu.enqueue_dma source(%arg3 : memref<64x2x16xf32, #tpu.memory_space<hbm>>) target(%dma_start3A_21 : memref<64x2x16xf32, #tpu.memory_space<vmem>>) target_semaphore(%run_scoped3A_12 : memref<!tpu.dma_semaphore, #tpu.memory_space<semaphore_mem>>)
      %dma_wait3A = arith.constant 0 : i32
      %dma_wait3A_22 = arith.constant 1 : i32
      %dma_wait3A_23 = arith.constant 0 : i32
      %dma_wait3A_24 = tpu.memref_slice %arg5[%run_scoped3A_6, %dma_wait3A, %dma_wait3A_22, %dma_wait3A_23] : memref<5x64x3x16xf32, #tpu.memory_space<vmem>> -> memref<1x64x2x16xf32, #tpu.memory_space<vmem>>
      %dma_wait3A_25 = tpu.memref_squeeze %dma_wait3A_24 : memref<1x64x2x16xf32, #tpu.memory_space<vmem>> -> memref<64x2x16xf32, #tpu.memory_space<vmem>>
      %dma_wait3A_26 = arith.constant 0 : i32
      %dma_wait3A_27 = arith.constant 1 : i32
      %dma_wait3A_28 = arith.constant 0 : i32
      %dma_wait3A_29 = tpu.memref_slice %arg5[%run_scoped3A_6, %dma_wait3A_26, %dma_wait3A_27, %dma_wait3A_28] : memref<5x64x3x16xf32, #tpu.memory_space<vmem>> -> memref<1x64x2x16xf32, #tpu.memory_space<vmem>>
      %dma_wait3A_30 = tpu.memref_squeeze %dma_wait3A_29 : memref<1x64x2x16xf32, #tpu.memory_space<vmem>> -> memref<64x2x16xf32, #tpu.memory_space<vmem>>
      tpu.wait_dma2 semaphore(%run_scoped3A_12 : memref<!tpu.dma_semaphore, #tpu.memory_space<semaphore_mem>>) src(%arg3 : memref<64x2x16xf32, #tpu.memory_space<hbm>>) dst(%dma_wait3A_30 : memref<64x2x16xf32, #tpu.memory_space<vmem>>)
      tpu.yield
    }) : () -> ()
    %scan3A = arith.constant 0 : i32
    %scan3A_7 = arith.constant 0 : i32
    %scan3A_8 = arith.constant 125 : i32
    %scan3A_9 = arith.addi %scan3A_7, %scan3A_8 : i32
    %scan3A_10 = arith.constant 1 : i32
    scf.for %scan3A_12 = %scan3A_7 to %scan3A_9 step %scan3A_10  : i32 {
      %mul3A_13 = arith.constant 5 : i32
      %mul3A_14 = arith.muli %scan3A_12, %mul3A_13 : i32
      %add3A_15 = arith.addi %mul3A_2, %mul3A_14 : i32
      %run_scoped3A_16 = arith.constant 0 : i32
      "tpu.region"() ({
        %run_scoped3A_17 = tpu.sem_alloc : memref<!tpu.dma_semaphore, #tpu.memory_space<semaphore_mem>>
        %dma_start3A = arith.constant 0 : i32
        %dma_start3A_18 = arith.constant 0 : i32
        %dma_start3A_19 = arith.constant 0 : i32
        %dma_start3A_20 = tpu.memref_slice %arg5[%dma_start3A, %dma_start3A_18, %run_scoped3A_16, %dma_start3A_19] : memref<5x64x3x16xf32, #tpu.memory_space<vmem>> -> memref<5x64x1x16xf32, #tpu.memory_space<vmem>>
        %dma_start3A_21 = tpu.memref_squeeze %dma_start3A_20 : memref<5x64x1x16xf32, #tpu.memory_space<vmem>> -> memref<5x64x16xf32, #tpu.memory_space<vmem>>
        %dma_start3A_22 = arith.constant 0 : i32
        %dma_start3A_23 = arith.constant 0 : i32
        %dma_start3A_24 = tpu.memref_slice %arg2[%add3A_15, %dma_start3A_22, %dma_start3A_23] : memref<20000x64x16xf32, #tpu.memory_space<hbm>> -> memref<5x64x16xf32, #tpu.memory_space<hbm>>
        %dma_start3A_25 = arith.constant 0 : i32
        %dma_start3A_26 = arith.constant 0 : i32
        %dma_start3A_27 = arith.constant 0 : i32
        %dma_start3A_28 = tpu.memref_slice %arg5[%dma_start3A_25, %dma_start3A_26, %run_scoped3A_16, %dma_start3A_27] : memref<5x64x3x16xf32, #tpu.memory_space<vmem>> -> memref<5x64x1x16xf32, #tpu.memory_space<vmem>>
        %dma_start3A_29 = tpu.memref_squeeze %dma_start3A_28 : memref<5x64x1x16xf32, #tpu.memory_space<vmem>> -> memref<5x64x16xf32, #tpu.memory_space<vmem>>
        %dma_start3A_30 = arith.constant 0 : i32
        %dma_start3A_31 = arith.constant 0 : i32
        %dma_start3A_32 = tpu.memref_slice %arg2[%add3A_15, %dma_start3A_30, %dma_start3A_31] : memref<20000x64x16xf32, #tpu.memory_space<hbm>> -> memref<5x64x16xf32, #tpu.memory_space<hbm>>
        tpu.enqueue_dma source(%dma_start3A_32 : memref<5x64x16xf32, #tpu.memory_space<hbm>>) target(%dma_start3A_29 : memref<5x64x16xf32, #tpu.memory_space<vmem>>) target_semaphore(%run_scoped3A_17 : memref<!tpu.dma_semaphore, #tpu.memory_space<semaphore_mem>>)
        %dma_wait3A = arith.constant 0 : i32
        %dma_wait3A_33 = arith.constant 0 : i32
        %dma_wait3A_34 = arith.constant 0 : i32
        %dma_wait3A_35 = tpu.memref_slice %arg5[%dma_wait3A, %dma_wait3A_33, %run_scoped3A_16, %dma_wait3A_34] : memref<5x64x3x16xf32, #tpu.memory_space<vmem>> -> memref<5x64x1x16xf32, #tpu.memory_space<vmem>>
        %dma_wait3A_36 = tpu.memref_squeeze %dma_wait3A_35 : memref<5x64x1x16xf32, #tpu.memory_space<vmem>> -> memref<5x64x16xf32, #tpu.memory_space<vmem>>
        %dma_wait3A_37 = arith.constant 0 : i32
        %dma_wait3A_38 = arith.constant 0 : i32
        %dma_wait3A_39 = tpu.memref_slice %arg2[%add3A_15, %dma_wait3A_37, %dma_wait3A_38] : memref<20000x64x16xf32, #tpu.memory_space<hbm>> -> memref<5x64x16xf32, #tpu.memory_space<hbm>>
        %dma_wait3A_40 = arith.constant 0 : i32
        %dma_wait3A_41 = arith.constant 0 : i32
        %dma_wait3A_42 = arith.constant 0 : i32
        %dma_wait3A_43 = tpu.memref_slice %arg5[%dma_wait3A_40, %dma_wait3A_41, %run_scoped3A_16, %dma_wait3A_42] : memref<5x64x3x16xf32, #tpu.memory_space<vmem>> -> memref<5x64x1x16xf32, #tpu.memory_space<vmem>>
        %dma_wait3A_44 = tpu.memref_squeeze %dma_wait3A_43 : memref<5x64x1x16xf32, #tpu.memory_space<vmem>> -> memref<5x64x16xf32, #tpu.memory_space<vmem>>
        %dma_wait3A_45 = arith.constant 0 : i32
        %dma_wait3A_46 = arith.constant 0 : i32
        %dma_wait3A_47 = tpu.memref_slice %arg2[%add3A_15, %dma_wait3A_45, %dma_wait3A_46] : memref<20000x64x16xf32, #tpu.memory_space<hbm>> -> memref<5x64x16xf32, #tpu.memory_space<hbm>>
        tpu.wait_dma2 semaphore(%run_scoped3A_17 : memref<!tpu.dma_semaphore, #tpu.memory_space<semaphore_mem>>) src(%dma_wait3A_47 : memref<5x64x16xf32, #tpu.memory_space<hbm>>) dst(%dma_wait3A_44 : memref<5x64x16xf32, #tpu.memory_space<vmem>>)
        tpu.yield
      }) : () -> ()
      "tpu.region"() ({
        %run_scoped3A_17 = tpu.sem_alloc : memref<!tpu.dma_semaphore, #tpu.memory_space<semaphore_mem>>
        %dma_start3A = arith.constant 0 : i32
        %dma_start3A_18 = arith.constant 0 : i32
        %dma_start3A_19 = arith.constant 0 : i32
        %dma_start3A_20 = tpu.memref_slice %arg4[%add3A_15, %dma_start3A, %dma_start3A_18, %dma_start3A_19] : memref<20000x64x3x16xf32, #tpu.memory_space<hbm>> -> memref<5x64x3x16xf32, #tpu.memory_space<hbm>>
        %dma_start3A_21 = arith.constant 0 : i32
        %dma_start3A_22 = arith.constant 0 : i32
        %dma_start3A_23 = arith.constant 0 : i32
        %dma_start3A_24 = tpu.memref_slice %arg4[%add3A_15, %dma_start3A_21, %dma_start3A_22, %dma_start3A_23] : memref<20000x64x3x16xf32, #tpu.memory_space<hbm>> -> memref<5x64x3x16xf32, #tpu.memory_space<hbm>>
        tpu.enqueue_dma source(%arg5 : memref<5x64x3x16xf32, #tpu.memory_space<vmem>>) target(%dma_start3A_24 : memref<5x64x3x16xf32, #tpu.memory_space<hbm>>) target_semaphore(%run_scoped3A_17 : memref<!tpu.dma_semaphore, #tpu.memory_space<semaphore_mem>>)
        %dma_wait3A = arith.constant 0 : i32
        %dma_wait3A_25 = arith.constant 0 : i32
        %dma_wait3A_26 = arith.constant 0 : i32
        %dma_wait3A_27 = tpu.memref_slice %arg4[%add3A_15, %dma_wait3A, %dma_wait3A_25, %dma_wait3A_26] : memref<20000x64x3x16xf32, #tpu.memory_space<hbm>> -> memref<5x64x3x16xf32, #tpu.memory_space<hbm>>
        %dma_wait3A_28 = arith.constant 0 : i32
        %dma_wait3A_29 = arith.constant 0 : i32
        %dma_wait3A_30 = arith.constant 0 : i32
        %dma_wait3A_31 = tpu.memref_slice %arg4[%add3A_15, %dma_wait3A_28, %dma_wait3A_29, %dma_wait3A_30] : memref<20000x64x3x16xf32, #tpu.memory_space<hbm>> -> memref<5x64x3x16xf32, #tpu.memory_space<hbm>>
        tpu.wait_dma2 semaphore(%run_scoped3A_17 : memref<!tpu.dma_semaphore, #tpu.memory_space<semaphore_mem>>) src(%arg5 : memref<5x64x3x16xf32, #tpu.memory_space<vmem>>) dst(%dma_wait3A_31 : memref<5x64x3x16xf32, #tpu.memory_space<hbm>>)
        tpu.yield
      }) : () -> ()
    }
    %scan3A_11 = arith.constant 125 : i32
    return
  }
}

</mosaic_0001>

<sc_bundles>
// kernel: kernel.3.cloned.1.call-start
scs
__scs_entry_jumppad:
0x0: {  	(pc) =	sbr.rel $0x88, $3  }
0x1: {  	(tag) =	ssettag $0x0;
	lr =	simm.s32 $0x1  }
0x2: {  	[smem:$0x3F9F] =	sst lr;
	_ =	strace $0xD0000000  }
0x3: {  	_ = 	snop  }
0x4: {  	_ = 	snop  }
0x5: {  	_ = 	snop  }
0x6: {  	_ = 	snop  }
0x7: {  	_ = 	snop  }
__scs_overlays_trampoline_lowered:
0x8: {  	[smem:$0x3FAE] =	sst s0  }
0x9: {  	[smem:$0x3FAF] =	sst s1  }
0xa: {  	[smem:$0x3FB0] =	sst s2  }
0xb: {  	[smem:$0x3FB1] =	sst s3  }
0xc: {  	[smem:$0x3FB2] =	sst s4  }
0xd: {  	[smem:$0x3FB3] =	sst s5  }
0xe: {  	[smem:$0x3FB4] =	sst s6  }
0xf: {  	[smem:$0x3FB5] =	sst s7  }
0x10: {  	[smem:$0x3FB6] =	sst s8  }
0x11: {  	[smem:$0x3FB7] =	sst s9;
	s0 =	simm.s32 @!p0 $0x0  }
0x12: {  	s1 =	sld [smem:$0x3F9D];
	s0 =	simm.s32 @p0 $0x1  }
0x13: {  	[smem:$0x3FB8] =	sst s0;
	s0 =	simm.s32 @!p1 $0x0  }
0x14: {  	s2 =	sld [smem:$0x3F9C];
	s0 =	simm.s32 @p1 $0x1  }
0x15: {  	[smem:$0x3FB9] =	sst s0;
	s0 =	simm.s32 @!p2 $0x0  }
0x16: {  	s3 =	sld [smem:$0x3FDB];
	s0 =	simm.s32 @p2 $0x1  }
0x17: {  	s4 =	simm.s32 $0x1BF5;
	[smem:$0x3FBB] =	sst s0  }
0x18: {  	s0 =	sld [smem:$0x3F9E];
	_ =	swait.ge [sflag:s4], $0x0  }
0x19: {  	s7 =	sld [smem:$0x3F9F]  }
0x1a: {  	s8 =	sadd.s32 $0xFFFFE003, lr  }
0x1b: {  	s9 =	sadd.s32 $0xFFFFFEF7, lr;
	s5 =	simm.s32 $0xFFFFFFFF;
	p2 =	slt.u32 s8, $0xFFFFF086  }
0x1c: {  	p1 =	slt.u32 s9, $0xF7A;
	s5 =	simm.s32 @!p2 $0x0  }
0x1d: {  	s5 =	simm.s32 @p1 $0x1;
	p0 =	seq.s32 s7, s2  }
0x1e: {  	s7 =	smul.u32 @!p0 $0xF7A, s2;
	p2 =	seq.s32 @!p0 s5, $0x0  }
0x1f: {  	s9 =	smul.u32 $0xF7A, s1;
	s8 =	simm.s32 @!p0 $0x1BF5;
	p2 =	por !p2, p0  }
0x20: {  	[sflag:s8] =	ssyncset.s32 @!p0 $0xFFFFF086;
	s6 =	sadd.s32 @!p0 s3, s7;
	s7 =	simm.s32 @!p0 $0x108  }
0x21: {  	s3 =	sadd.s32 s3, s9;
	s6 =	sadd.s32 @!p0 $0x88, s6;
	s7 =	simm.s32 @p2 $0x1082  }
0x22: {  	[simem:s7], [sflag:s8] =	dma.local @!p0 [hbm:s6], $0xF7A  }
0x23: {  	s9 =	sor.u32 $0xD0000000, s2;
	s6 =	simm.s32 $0x108;
	_ =	swait.ge @!p0 [sflag:s8], $0x0  }
0x24: {  	s3 =	sadd.s32 $0x88, s3;
	s6 =	simm.s32 @!p1 $0x1082;
	[sflag:s4] =	ssyncset.s32 $0xFFFFF086  }
0x25: {  	[simem:s6], [sflag:s4] =	dma.local [hbm:s3], $0xF7A  }
0x26: {  	[smem:$0x3F9F] =	sst s1;
	(tag) =	ssettag s2;
	_ =	strace s9  }
0x27: {  	s1 =	sld [smem:$0x3FAF]  }
0x28: {  	s2 =	sld [smem:$0x3FB0]  }
0x29: {  	s4 =	sld [smem:$0x3FB2]  }
0x2a: {  	p0 =	seq.s32 s5, $0x0;
	s5 =	sld [smem:$0x3FB3]  }
0x2b: {  	s6 =	sld [smem:$0x3FB4]  }
0x2c: {  	s7 =	sld [smem:$0x3FB5]  }
0x2d: {  	s3 =	simm.s32 $0x108;
	s8 =	sld [smem:$0x3FB6]  }
0x2e: {  	s3 =	simm.s32 @!p0 $0x1082;
	s9 =	sld [smem:$0x3FB7]  }
0x2f: {  	lr =	sadd.s32 s0, s3;
	s0 =	sld [smem:$0x3FAE]  }
0x30: {  	s3 =	sld [smem:$0x3FB1]  }
0x31: {  	[smem:$0x3FBA] =	sst s10  }
0x32: {  	s10 =	sld [smem:$0x3FB8];
	_ =	sdelay $0x3  }
0x33: {  	p0 =	seq.s32 s10, $0x1;
	s10 =	sld [smem:$0x3FBA];
	_ =	sdelay $0x3  }
0x34: {  	[smem:$0x3FBA] =	sst s10  }
0x35: {  	s10 =	sld [smem:$0x3FB9];
	_ =	sdelay $0x3  }
0x36: {  	p1 =	seq.s32 s10, $0x1;
	s10 =	sld [smem:$0x3FBA];
	_ =	sdelay $0x3  }
0x37: {  	[smem:$0x3FBA] =	sst s10  }
0x38: {  	s10 =	sld [smem:$0x3FBB]  }
0x39: {  	_ = 	snop;
	(pc) =	sbr.ind lr, $3  }
0x3a: {  	_ = 	snop  }
0x3b: {  	_ = 	snop  }
0x3c: {  	p2 =	seq.s32 s10, $0x1;
	s10 =	sld [smem:$0x3FBA]  }
0x3d: {  	_ =	shalt  }
0x3e: {  	_ =	shalt  }
0x3f: {  	_ =	shalt  }
0x40: {  	_ =	shalt  }
0x41: {  	_ =	shalt  }
0x42: {  	_ =	shalt  }
0x43: {  	_ =	shalt  }
0x44: {  	_ =	shalt  }
0x45: {  	_ =	shalt  }
0x46: {  	_ =	shalt  }
0x47: {  	_ =	shalt  }
0x48: {  	_ =	shalt  }
0x49: {  	_ =	shalt  }
0x4a: {  	_ =	shalt  }
0x4b: {  	_ =	shalt  }
0x4c: {  	_ =	shalt  }
0x4d: {  	_ =	shalt  }
0x4e: {  	_ =	shalt  }
0x4f: {  	_ =	shalt  }
0x50: {  	_ =	shalt  }
0x51: {  	_ =	shalt  }
0x52: {  	_ =	shalt  }
0x53: {  	_ =	shalt  }
0x54: {  	_ =	shalt  }
0x55: {  	_ =	shalt  }
0x56: {  	_ =	shalt  }
0x57: {  	_ =	shalt  }
0x58: {  	_ =	shalt  }
0x59: {  	_ =	shalt  }
0x5a: {  	_ =	shalt  }
0x5b: {  	_ =	shalt  }
0x5c: {  	_ =	shalt  }
0x5d: {  	_ =	shalt  }
0x5e: {  	_ =	shalt  }
0x5f: {  	_ =	shalt  }
0x60: {  	_ =	shalt  }
0x61: {  	_ =	shalt  }
0x62: {  	_ =	shalt  }
0x63: {  	_ =	shalt  }
0x64: {  	_ =	shalt  }
0x65: {  	_ =	shalt  }
0x66: {  	_ =	shalt  }
0x67: {  	_ =	shalt  }
0x68: {  	_ =	shalt  }
0x69: {  	_ =	shalt  }
0x6a: {  	_ =	shalt  }
0x6b: {  	_ =	shalt  }
0x6c: {  	_ =	shalt  }
0x6d: {  	_ =	shalt  }
0x6e: {  	_ =	shalt  }
0x6f: {  	_ =	shalt  }
0x70: {  	_ =	shalt  }
0x71: {  	_ =	shalt  }
0x72: {  	_ =	shalt  }
0x73: {  	_ =	shalt  }
0x74: {  	_ =	shalt  }
0x75: {  	_ =	shalt  }
0x76: {  	_ =	shalt  }
0x77: {  	_ =	shalt  }
0x78: {  	_ =	shalt  }
0x79: {  	_ =	shalt  }
0x7a: {  	_ =	shalt  }
0x7b: {  	_ =	shalt  }
0x7c: {  	_ =	shalt  }
0x7d: {  	_ =	shalt  }
0x7e: {  	_ =	shalt  }
0x7f: {  	_ =	shalt  }
0x80: {  	_ =	shalt  }
0x81: {  	_ =	shalt  }
0x82: {  	_ =	shalt  }
0x83: {  	_ =	shalt  }
0x84: {  	_ =	shalt  }
0x85: {  	_ =	shalt  }
0x86: {  	_ =	shalt  }
0x87: {  	_ =	shalt  }
.Lfunc_end0:
.L_simem_size_0:
called_computation.2_lowered:
.L_overlay_start_0:
0x88: {  	s2 =	sld [smem:$0x3FD9]  }
0x89: {  	s3 =	sld [smem:$0x3FFE];
	_ =	sdelay $0x1  }
0x8a: {  	s1 =	srdreg.scid  }
0x8b: {  	s0 =	sand.u32 $0x1, s1  }
0x8c: {  	s17 =	sshll.u32 s0, $0xA;
	s2 =	sadd.s32 s3, s2  }
0x8d: {  	s2 =	sadd.s32 s2, s17  }
0x8e: {  	[smem:$0x3FC6] =	sst s2  }
0x8f: {  	_ = 	snop  }
0x90: {  	s2 =	sld [smem:$0x3FD0];
	(tm) =	ssettm $0x1  }
0x91: {  	s18 =	sld [smem:$0x3FFB];
	_ =	sdelay $0x3  }
0x92: {  	_ =	strace s18  }
0x93: {  	s3 =	sld [smem:$0x3FFC];
	_ =	sdelay $0x3  }
0x94: {  	_ =	strace s3  }
0x95: {  	s3 =	sld [smem:$0x3FFD];
	_ =	sdelay $0x3  }
0x96: {  	_ =	strace s3  }
0x97: {  	_ =	strace $0x8FFFFFFF  }
0x98: {  	s19 =	sld [smem:$0x3FDB];
	_ =	sdelay $0x1  }
0x99: {  	s4 =	simm.s32 $_scs_section_size  }
0x9a: {  	s5 =	simm.s32 $_size__tile_overlayer_lowered;
	s6 =	simm.s32 $_tile_overlayer_lowered  }
0x9b: {  	s22 =	simm.s32 $0x1BFF;
	s21 =	sshll.u32 s6, $0x1;
	s3 =	sadd.s32 s4, s19  }
0x9c: {  	s7 =	simm.s32 $0x0;
	s20 =	sshll.u32 s5, $0x1;
	s5 =	sadd.s32 s21, s3  }
0x9d: {  	[timem:s7], [sflag:s22] =	dma.local [hbm:s5], s20  }
0x9e: {  	_ =	swait.ge [sflag:s22], s20  }
0x9f: {  	s4 =	ssub.s32 $0x0, s20;
	[sflag:s22] =	ssyncset.done $0x0  }
0xa0: {  	[sflag:s22] =	ssyncadd.s32 s4;
	_ =	sdelay $0x1  }
0xa1: {  	s23 =	simm.s32 $0x1B8B  }
0xa2: {  	_ =	swait.ge [sflag:s23], $0x1  }
0xa3: {  	[sflag:s23] =	ssyncset.done $0x0  }
0xa4: {  	s25 =	simm.s32 $0x1B8E;
	s24 =	sld [smem:$0x3FFE];
	[sflag:s23] =	ssyncadd.s32 $0xFFFFFFFF  }
0xa5: {  	s26 =	simm.s32 $execute0_lowered;
	[smem:$0x3FD2] =	sst s25  }
0xa6: {  	s5 =	sshll.u32 s26, $0x1;
	_ =	strace $0x80000046;
	[dreg:$0x1] =	wrdreg $0xFFFFFFFF  }
0xa7: {  	s28 =	simm.s32 $_size_execute0_lowered;
	s3 =	sadd.s32 s3, s5;
	[dreg:$0x0] =	wrdreg $0x0  }
0xa8: {  	s5 =	sshll.u32 s28, $0x1;
	[dreg:$0x2] =	wrdreg s3  }
0xa9: {  	[dreg:$0x3] =	wrdreg s5  }
0xaa: {  	[dreg:$0x4] =	wrdreg $0xC0  }
0xab: {  	_ =	task [dreg:s7], $0x5FFFF  }
0xac: {  	[dreg:$0x1] =	wrdreg $0xFFFFFFFF  }
0xad: {  	[dreg:$0x0] =	wrdreg $0x60  }
0xae: {  	[dreg:$0x2] =	wrdreg s24  }
0xaf: {  	[dreg:$0x3] =	wrdreg s2  }
0xb0: {  	[dreg:$0x4] =	wrdreg $0x9  }
0xb1: {  	_ =	task.clear_ibuf [dreg:s7], $0x5FFFF;
	_ =	strace $0x90000046  }
0xb2: {  	s29 =	simm.s32 $0x9;
	_ =	strace $0x80000048  }
0xb3: {  	_ =	swait.ge [sflag:s29], $0x1  }
0xb4: {  	[sflag:s29] =	ssyncadd.s32 $0xFFFFFFFF  }
0xb5: {  	_ =	strace $0x90000048  }
0xb6: {  	_ =	sfence  }
0xb7: {  	s30 =	sld [smem:$0x0];
	_ =	sdelay $0x2  }
0xb8: {  	s31 =	sshll.u32 s1, $0xD;
	s1 =	sshrl.u32 s1, $0x2  }
0xb9: {  	s3 =	sand.u32 $0x4000, s31;
	s1 =	sadd.s32 s1, s30  }
0xba: {  	s0 =	sor.u32 s3, s0;
	s1 =	sshll.u32 s1, $0x11  }
0xbb: {  	s0 =	sor.u32 s1, s0  }
0xbc: {  	s0 =	sadd.s32 $0x8F2B, s0  }
0xbd: {  	[sflag:s0] =	ssyncadd.remote.s32 $0x1  }
0xbe: {  	_ =	sfence.sel $0xFFFF  }
0xbf: {  	[dreg:$0x0] =	wrdreg $0xFFFFFFFF;
	(pc) =	sbr.abs _section_cstart, $3  }
0xc0: {  	[dreg:$0x1] =	wrdreg $0xFFFFFFFF  }
0xc1: {  	_ =	task.clear_ibuf [dreg:s7], $0x2FFFF;
	_ =	strace $0x9FFFFFFF  }
0xc2: {  	(tm) =	ssettm $0x7FFFFFFF  }
0xc3: {  	_ =	shalt  }
tec
execute0_lowered:
.L_overlay_start_1:
0x0: {  	(tag) =	ssettag $0x1  }
0x1: {  	s5 =	rddreg [dreg:$0x0]  }
0x2: {  	s1 =	rddreg [dreg:$0x1]  }
0x3: {  	s0 =	rddreg [dreg:$0x2];
	s3 =	simm.s32 $0x0;
	s4 =	srdreg.scid  }
0x4: {  	s2 =	stileid.u32;
	[smem:$0x7FF] =	sst s3;
	s6 =	sand.u32 $0x1, s4  }
0x5: {  	s8 =	sshll.u32 s2, $0x1;
	s4 =	sadd.s32 $0x1388E00, s5;
	s7 =	ssub.s32 $0x2, s6  }
0x6: {  	s5 =	sadd.s32 $0xC00, s5;
	_ =	strace $0x80000047;
	s9 =	sshrl.u32 s7, $0x1  }
0x7: {  	s6 =	sor.u32 s6, s8;
	s8 =	simm.s32 $0x1;
	s7 =	ssub.s32 s7, s9  }
0x8: {  	s6 =	smul.u32 $0x271, s6;
	s9 =	simm.s32 $0x0;
	s7 =	smax.u32 s7, $0x1  }
.LBB2_1:
0x9: {  	s10 =	simm.s32 $0x10  }
0xa: {  	s11 =	simm.s32 $0x4;
	s13 =	sadd.s32 $0x0, s5;
	s12 =	simm.s32 $0x40  }
.LBB2_2:
0xb: {  	[tilespmem:s10], [sflag:$0x1] =	stream.linear.gather [hbm4b:s13+s3], $0x20, $0x38;
	[tilespmem:$0x3C00] =	vst v63  }
0xc: {  	s13 =	smov.u32 s11;
	s10 =	smov.u32 s12;
	p0 =	sne.s32 s11, $0xFC  }
.Ltmp0:
0xd: {  	s11 =	sadd.s32 $0x4, s11;
	(pc) =	sbr.rel @p0 .LBB2_2-.Ltmp0, $2  }
0xe: {  	_ =	sdelay $0x2  }
0xf: {  	s12 =	sadd.s32 $0x30, s12;
	s13 =	sadd.s32 s13, s5  }
0x10: {  	[tilespmem:s10], [sflag:$0x1] =	stream.linear.gather [hbm4b:s13+s3], $0x20, $0x38;
	[tilespmem:$0x3C00] =	vst v63  }
0x11: {  	_ =	swait.ge [sflag:s8], $0x800  }
0x12: {  	s10 =	simm.s32 $0xC10;
	s11 =	simm.s32 $0x4;
	[sflag:s8] =	ssyncset.done $0x0  }
0x13: {  	s13 =	sadd.s32 $0x0, s5;
	s12 =	simm.s32 $0xC40;
	[sflag:s8] =	ssyncadd.s32 $0xFFFFF800  }
.LBB2_4:
0x14: {  	[tilespmem:s10], [sflag:$0x1] =	stream.linear.gather [hbm4b:s13+s3], $0x20, $0x38;
	[tilespmem:$0x3C00] =	vst v63  }
0x15: {  	s13 =	smov.u32 s11;
	s10 =	smov.u32 s12;
	p0 =	sne.s32 s11, $0xFC  }
.Ltmp1:
0x16: {  	s11 =	sadd.s32 $0x4, s11;
	(pc) =	sbr.rel @p0 .LBB2_4-.Ltmp1, $2  }
0x17: {  	_ =	sdelay $0x2  }
0x18: {  	s12 =	sadd.s32 $0x30, s12;
	s13 =	sadd.s32 s13, s5  }
0x19: {  	[tilespmem:s10], [sflag:$0x1] =	stream.linear.gather [hbm4b:s13+s3], $0x20, $0x38;
	[tilespmem:$0x3C00] =	vst v63  }
0x1a: {  	_ =	swait.ge [sflag:s8], $0x800  }
0x1b: {  	s10 =	simm.s32 $0x1810;
	s11 =	simm.s32 $0x4;
	[sflag:s8] =	ssyncset.done $0x0  }
0x1c: {  	s13 =	sadd.s32 $0x0, s5;
	s12 =	simm.s32 $0x1840;
	[sflag:s8] =	ssyncadd.s32 $0xFFFFF800  }
.LBB2_6:
0x1d: {  	[tilespmem:s10], [sflag:$0x1] =	stream.linear.gather [hbm4b:s13+s3], $0x20, $0x38;
	[tilespmem:$0x3C00] =	vst v63  }
0x1e: {  	s13 =	smov.u32 s11;
	s10 =	smov.u32 s12;
	p0 =	sne.s32 s11, $0xFC  }
.Ltmp2:
0x1f: {  	s11 =	sadd.s32 $0x4, s11;
	(pc) =	sbr.rel @p0 .LBB2_6-.Ltmp2, $2  }
0x20: {  	_ =	sdelay $0x2  }
0x21: {  	s12 =	sadd.s32 $0x30, s12;
	s13 =	sadd.s32 s13, s5  }
0x22: {  	[tilespmem:s10], [sflag:$0x1] =	stream.linear.gather [hbm4b:s13+s3], $0x20, $0x38;
	[tilespmem:$0x3C00] =	vst v63  }
0x23: {  	_ =	swait.ge [sflag:s8], $0x800  }
0x24: {  	s10 =	simm.s32 $0x2410;
	s11 =	simm.s32 $0x4;
	[sflag:s8] =	ssyncset.done $0x0  }
0x25: {  	s13 =	sadd.s32 $0x0, s5;
	s12 =	simm.s32 $0x2440;
	[sflag:s8] =	ssyncadd.s32 $0xFFFFF800  }
.LBB2_8:
0x26: {  	[tilespmem:s10], [sflag:$0x1] =	stream.linear.gather [hbm4b:s13+s3], $0x20, $0x38;
	[tilespmem:$0x3C00] =	vst v63  }
0x27: {  	s13 =	smov.u32 s11;
	s10 =	smov.u32 s12;
	p0 =	sne.s32 s11, $0xFC  }
.Ltmp3:
0x28: {  	s11 =	sadd.s32 $0x4, s11;
	(pc) =	sbr.rel @p0 .LBB2_8-.Ltmp3, $2  }
0x29: {  	_ =	sdelay $0x2  }
0x2a: {  	s12 =	sadd.s32 $0x30, s12;
	s13 =	sadd.s32 s13, s5  }
0x2b: {  	[tilespmem:s10], [sflag:$0x1] =	stream.linear.gather [hbm4b:s13+s3], $0x20, $0x38;
	[tilespmem:$0x3C00] =	vst v63  }
0x2c: {  	_ =	swait.ge [sflag:s8], $0x800  }
0x2d: {  	s10 =	simm.s32 $0x3010;
	s11 =	simm.s32 $0x4;
	[sflag:s8] =	ssyncset.done $0x0  }
0x2e: {  	s13 =	sadd.s32 $0x0, s5;
	s12 =	simm.s32 $0x3040;
	[sflag:s8] =	ssyncadd.s32 $0xFFFFF800  }
.LBB2_10:
0x2f: {  	[tilespmem:s10], [sflag:$0x1] =	stream.linear.gather [hbm4b:s13+s3], $0x20, $0x38;
	[tilespmem:$0x3C00] =	vst v63  }
0x30: {  	s13 =	smov.u32 s11;
	s10 =	smov.u32 s12;
	p0 =	sne.s32 s11, $0xFC  }
.Ltmp4:
0x31: {  	s11 =	sadd.s32 $0x4, s11;
	(pc) =	sbr.rel @p0 .LBB2_10-.Ltmp4, $2  }
0x32: {  	_ =	sdelay $0x2  }
0x33: {  	s12 =	sadd.s32 $0x30, s12;
	s13 =	sadd.s32 s13, s5  }
0x34: {  	[tilespmem:s10], [sflag:$0x1] =	stream.linear.gather [hbm4b:s13+s3], $0x20, $0x38;
	[tilespmem:$0x3C00] =	vst v63  }
0x35: {  	_ =	swait.ge [sflag:s8], $0x800  }
0x36: {  	[sflag:s8] =	ssyncset.done $0x0  }
0x37: {  	s10 =	simm.s32 $0x0;
	[sflag:s8] =	ssyncadd.s32 $0xFFFFF800  }
.LBB2_12:
0x38: {  	s11 =	smul.u32 $0x5, s10;
	_ =	sdelay $0x1  }
0x39: {  	s11 =	sadd.s32 s6, s11  }
0x3a: {  	s12 =	sshll.u32 s11, $0x7  }
0x3b: {  	s13 =	simm.s32 $0x2;
	s12 =	sadd.s32 s4, s12  }
0x3c: {  	s14 =	simm.s32 $0x30;
	s15 =	simm.s32 $0x0;
	s16 =	sadd.s32 $0x0, s12  }
.LBB2_13:
0x3d: {  	[tilespmem:s15], [sflag:$0x1] =	stream.linear.gather [hbm4b:s16+s3], $0x10, $0x38;
	[tilespmem:$0x3C00] =	vst v63  }
0x3e: {  	s16 =	smov.u32 s13;
	s15 =	smov.u32 s14;
	p0 =	sne.s32 s13, $0x27E  }
.Ltmp5:
0x3f: {  	s13 =	sadd.s32 $0x2, s13;
	(pc) =	sbr.rel @p0 .LBB2_13-.Ltmp5, $2  }
0x40: {  	_ =	sdelay $0x2  }
0x41: {  	s14 =	sadd.s32 $0x30, s14;
	s16 =	sadd.s32 s16, s12  }
0x42: {  	[tilespmem:s15], [sflag:$0x1] =	stream.linear.gather [hbm4b:s16+s3], $0x10, $0x38;
	[tilespmem:$0x3C00] =	vst v63  }
0x43: {  	s11 =	smul.u32 $0x180, s11;
	s10 =	sadd.s32 $0x1, s10;
	_ =	swait.ge [sflag:s8], $0x1400  }
0x44: {  	p0 =	sne.s32 s10, $0x7D;
	[sflag:s8] =	ssyncset.done $0x0  }
.Ltmp6:
0x45: {  	s11 =	sadd.s32 s1, s11;
	[sflag:s8] =	ssyncadd.s32 $0xFFFFEC00;
	(pc) =	sbr.rel @p0 .LBB2_12-.Ltmp6, $4  }
0x46: {  	[hbm4b:s11+s3] =	stream.linear.scatter [tilespmem:s3], [sflag:$0x1], $0x3C00, $0x38;
	[tilespmem:$0x3C00] =	vst v63  }
0x47: {  	_ =	swait.ge [sflag:s8], $0x3C00  }
0x48: {  	[sflag:s8] =	ssyncset.done $0x0  }
0x49: {  	[sflag:s8] =	ssyncadd.s32 $0xFFFFC400  }
0x4a: {  	s9 =	sadd.s32 $0x1, s9  }
0x4b: {  	p0 =	sne.s32 s9, s7  }
.Ltmp7:
0x4c: {  	_ = 	snop;
	(pc) =	sbr.rel @p0 .LBB2_1-.Ltmp7, $1  }
0x4d: {  	_ =	sdelay $0x3  }
0x4e: {  	_ =	sfence.sel $0x180000  }
0x4f: {  	[bflag:$0x0] =	sbarrier.arrive $0xFFFF  }
0x50: {  	p0 =	sne.s32 s2, $0x0;
	_ =	strace $0x90000047  }
0x51: {  	s0 =	sadd.s32 @!p0 $0x100000, s0;
	[bflag:$0x2] =	sbarrier.arrive $0xFFFF  }
0x52: {  	[sflag:s0] =	ssyncadd.tile.s32 @!p0 $0x1;
	_ =	shalt  }
.Lfunc_end2:
_tile_overlayer_lowered:
.L_overlay_start_2:
0x53: {  	(tag) =	ssettag $0x2  }
0x54: {  	s0 =	rddreg [dreg:$0x0];
	s2 =	stileid.u32  }
0x55: {  	s1 =	rddreg [dreg:$0x1];
	p0 =	sne.s32 s2, $0x0  }
0x56: {  	s3 =	rddreg [dreg:$0x2];
	[bflag:$0x3] =	sbarrier.arrive $0xFFFF;
	s2 =	simm.s32 @!p0 $0x1C01  }
0x57: {  	[timem:s3], [sflag:s2] =	dma.local @!p0 [hbm:s0], s1  }
0x58: {  	s0 =	simm.s32 @!p0 $0x1  }
0x59: {  	_ =	swait.ge @!p0 [sflag:s0], s1  }
0x5a: {  	s1 =	ssub.s32 @!p0 $0x0, s1;
	[sflag:s0] =	ssyncset.done @!p0 $0x0  }
0x5b: {  	[sflag:s0] =	ssyncadd.s32 @!p0 s1  }
0x5c: {  	[bflag:$0x3] =	sbarrier.arrive $0xFFFF  }
0x5d: {  	_ =	shalt  }

// kernel: sparse-core-data-format-call.1.cloned.1.call-start
scs
called_computation.1_lowered:
.L_overlay_start_0:
0x0: {  	s2 =	sld [smem:$0x3FD9]  }
0x1: {  	s3 =	sld [smem:$0x3FFE];
	_ =	sdelay $0x1  }
0x2: {  	s1 =	srdreg.scid  }
0x3: {  	s0 =	sand.u32 $0x1, s1  }
0x4: {  	s18 =	sshll.u32 s0, $0xA;
	s2 =	sadd.s32 s3, s2  }
0x5: {  	s2 =	sadd.s32 s2, s18  }
0x6: {  	[smem:$0x3FC6] =	sst s2  }
0x7: {  	_ = 	snop  }
0x8: {  	s2 =	sld [smem:$0x3FD0];
	(tm) =	ssettm $0x1  }
0x9: {  	s19 =	sld [smem:$0x3FFB];
	_ =	sdelay $0x3  }
0xa: {  	_ =	strace s19  }
0xb: {  	s3 =	sld [smem:$0x3FFC];
	_ =	sdelay $0x3  }
0xc: {  	_ =	strace s3  }
0xd: {  	s3 =	sld [smem:$0x3FFD];
	_ =	sdelay $0x3  }
0xe: {  	_ =	strace s3  }
0xf: {  	_ =	strace $0x8FFFFFFF  }
0x10: {  	s20 =	sld [smem:$0x3FDB];
	_ =	sdelay $0x1  }
0x11: {  	s4 =	simm.s32 $_scs_section_size  }
0x12: {  	s5 =	simm.s32 $_size__tile_overlayer_lowered;
	s6 =	simm.s32 $_tile_overlayer_lowered  }
0x13: {  	s23 =	simm.s32 $0x1BFF;
	s22 =	sshll.u32 s6, $0x1;
	s3 =	sadd.s32 s4, s20  }
0x14: {  	s7 =	simm.s32 $0x0;
	s21 =	sshll.u32 s5, $0x1;
	s5 =	sadd.s32 s22, s3  }
0x15: {  	[timem:s7], [sflag:s23] =	dma.local [hbm:s5], s21  }
0x16: {  	_ =	swait.ge [sflag:s23], s21  }
0x17: {  	s4 =	ssub.s32 $0x0, s21;
	[sflag:s23] =	ssyncset.done $0x0  }
0x18: {  	[sflag:s23] =	ssyncadd.s32 s4;
	_ =	sdelay $0x1  }
0x19: {  	s24 =	simm.s32 $0x1B8B  }
0x1a: {  	_ =	swait.ge [sflag:s24], $0x1  }
0x1b: {  	[sflag:s24] =	ssyncset.done $0x0  }
0x1c: {  	s26 =	simm.s32 $0x1B8E;
	s25 =	sld [smem:$0x3FFE];
	[sflag:s24] =	ssyncadd.s32 $0xFFFFFFFF  }
0x1d: {  	s27 =	simm.s32 $execute0_lowered;
	[smem:$0x3FD2] =	sst s26  }
0x1e: {  	s5 =	sshll.u32 s27, $0x1;
	_ =	strace $0x80000049;
	[dreg:$0x1] =	wrdreg $0xFFFFFFFF  }
0x1f: {  	s28 =	simm.s32 $_size_execute0_lowered;
	s3 =	sadd.s32 s3, s5;
	[dreg:$0x0] =	wrdreg $0x0  }
0x20: {  	s5 =	sshll.u32 s28, $0x1;
	[dreg:$0x2] =	wrdreg s3  }
0x21: {  	[dreg:$0x3] =	wrdreg s5  }
0x22: {  	[dreg:$0x4] =	wrdreg $0xC0  }
0x23: {  	_ =	task [dreg:s7], $0x5FFFF  }
0x24: {  	[dreg:$0x1] =	wrdreg $0xFFFFFFFF  }
0x25: {  	[dreg:$0x0] =	wrdreg $0x60  }
0x26: {  	[dreg:$0x2] =	wrdreg s25  }
0x27: {  	[dreg:$0x3] =	wrdreg s2  }
0x28: {  	[dreg:$0x4] =	wrdreg $0x9  }
0x29: {  	_ =	task.clear_ibuf [dreg:s7], $0x5FFFF;
	_ =	strace $0x90000049  }
0x2a: {  	s29 =	simm.s32 $0x9;
	_ =	strace $0x8000004B  }
0x2b: {  	_ =	swait.ge [sflag:s29], $0x1  }
0x2c: {  	[sflag:s29] =	ssyncadd.s32 $0xFFFFFFFF  }
0x2d: {  	_ =	strace $0x9000004B  }
0x2e: {  	_ =	sfence  }
0x2f: {  	s30 =	sld [smem:$0x0];
	_ =	sdelay $0x2  }
0x30: {  	s31 =	sshll.u32 s1, $0xD;
	s1 =	sshrl.u32 s1, $0x2  }
0x31: {  	s3 =	sand.u32 $0x4000, s31;
	s1 =	sadd.s32 s1, s30  }
0x32: {  	s0 =	sor.u32 s3, s0;
	s1 =	sshll.u32 s1, $0x11  }
0x33: {  	s0 =	sor.u32 s1, s0  }
0x34: {  	s0 =	sadd.s32 $0x8F2B, s0  }
0x35: {  	[sflag:s0] =	ssyncadd.remote.s32 $0x1  }
0x36: {  	_ =	sfence.sel $0xFFFF  }
0x37: {  	[dreg:$0x0] =	wrdreg $0xFFFFFFFF;
	(pc) =	sbr.abs _section_cstart, $3  }
0x38: {  	[dreg:$0x1] =	wrdreg $0xFFFFFFFF  }
0x39: {  	_ =	task.clear_ibuf [dreg:s7], $0x2FFFF;
	_ =	strace $0x9FFFFFFF  }
0x3a: {  	(tm) =	ssettm $0x7FFFFFFF  }
0x3b: {  	_ =	shalt  }
tec
execute0_lowered:
.L_overlay_start_1:
0x0: {  	(tag) =	ssettag $0x1  }
0x1: {  	s1 =	rddreg [dreg:$0x0]  }
0x2: {  	s2 =	rddreg [dreg:$0x1]  }
0x3: {  	s0 =	rddreg [dreg:$0x2]  }
0x4: {  	s4 =	srdreg.scid;
	_ =	strace $0x8000004A;
	s6 =	simm.s32 $0x2  }
0x5: {  	s11 =	simm.s32 $0x0;
	p0 =	por $0x0, $0x0;
	s12 =	simm.s32 $0x0  }
.Ltmp0:
0x6: {  	s13 =	simm.s32 $0x0;
	s8 =	simm.s32 $0x0;
	(pc) =	sbr.rel .LBB1_1-.Ltmp0, $4  }
0x7: {  	s10 =	simm.s32 $0x0;
	s3 =	sadd.s32 $0xC00, s1;
	s4 =	sshll.u32 s4, $0x4  }
0x8: {  	s1 =	stileid.u32;
	s5 =	sand.u32 $0x10, s4;
	s4 =	simm.s32 $0x1  }
0x9: {  	s7 =	simm.s32 $0x0;
	s5 =	sor.u32 s1, s5;
	[sflag:s4] =	ssyncpa.u1 $0x0  }
0xa: {  	[sflag:s6] =	ssyncpa.u1 $0x0;
	s6 =	simm.s32 $0x27400;
	s9 =	smov.u32 s5  }
.LBB1_5:
0xb: {  	s14 =	sadd.s32 $0x1, s8  }
0xc: {  	s11 =	sadd.s32 $0x20, s9;
	s15 =	smov.u32 s9;
	p2 =	sgt.s32 s14, $0x2  }
0xd: {  	s15 =	smov.u32 @p2 s11  }
0xe: {  	s17 =	smov.u32 s10;
	s11 =	sadd.s32 $0x80, s10;
	p3 =	sgt.s32 s15, $0x3F  }
0xf: {  	p1 =	slt.u32 s7, $0x2;
	s17 =	smov.u32 @p3 s11  }
0x10: {  	s7 =	sadd.s32 $0x1, s7;
	s14 =	simm.s32 @p2 $0x0;
	p2 =	sgt.s32 s17, $0x4E1F  }
0x11: {  	s17 =	simm.s32 @p2 $0x0;
	p2 =	sne.s32 s7, $0x3B0  }
.Ltmp1:
0x12: {  	s16 =	simm.s32 @!p1 $0x2;
	(pc) =	sbr.rel @!p2 .LBB1_6-.Ltmp1, $4  }
0x13: {  	s12 =	smov.u32 s9;
	_ =	swait.ge @!p1 [sflag:s16], $0x800  }
0x14: {  	s13 =	smov.u32 s10;
	p0 =	por !p0, !p0;
	[sflag:s16] =	ssyncset.done @!p1 $0x0  }
0x15: {  	s15 =	smov.u32 @p3 s5;
	s11 =	smov.u32 s8;
	[sflag:s16] =	ssyncadd.s32 @!p1 $0xFFFFF800  }
0x16: {  	s8 =	smov.u32 s14;
	s9 =	smov.u32 s15;
	s10 =	smov.u32 s17  }
.LBB1_1:
0x17: {  	p1 =	sgt.u32 s7, $0x3AD;
	s14 =	smov.u32 s10  }
0x18: {  	s17 =	smov.u32 s9;
	p2 =	sgt.s32 @!p1 s10, $0x4DA0;
	s15 =	sxor.u32 @!p1 $0xFFFFFFFF, s7  }
0x19: {  	s16 =	sshra.s32 @!p1 s10, $0x1F;
	s18 =	sshra.s32 @!p1 s9, $0x1F;
	p2 =	por !p2, p1  }
0x1a: {  	s16 =	sand.u32 @!p1 s16, s10;
	s14 =	simm.s32 @p2 $0x4DA0;
	p2 =	sgt.s32 @!p1 s9, $0x3F  }
0x1b: {  	s18 =	sand.u32 @!p1 s18, s9;
	s15 =	sshll.u32 @!p1 s15, $0xB;
	p2 =	por !p2, p1  }
0x1c: {  	s15 =	sand.u32 @!p1 $0x800, s15;
	s14 =	ssub.s32 @!p1 s14, s16;
	s17 =	simm.s32 @p2 $0x3F  }
0x1d: {  	p2 =	sgt.s32 @!p1 s8, $0x3;
	s14 =	sadd.s32 @!p1 $0xFFFFB260, s14;
	s16 =	ssub.s32 @!p1 s17, s18  }
0x1e: {  	p2 =	por !p2, p1;
	s18 =	smov.u32 s8;
	s17 =	sadd.s32 @!p1 $0xFFFFFFC1, s16  }
0x1f: {  	s18 =	simm.s32 @p2 $0x3;
	p3 =	sgt.s32 @!p1 s17, $0x0;
	s17 =	sshra.s32 @!p1 s8, $0x1F  }
0x20: {  	p2 =	sgt.s32 @!p1 s14, $0x7F;
	s14 =	sshll.u32 @!p1 s14, $0x4;
	s17 =	sand.u32 @!p1 s17, s8  }
0x21: {  	s16 =	ssub.s32 @!p1 $0x40, s16;
	s14 =	ssub.s32 @!p1 $0x800, s14;
	s17 =	ssub.s32 @!p1 s18, s17  }
0x22: {  	p2 =	por !p2, p1;
	p3 =	por !p3, p1;
	s18 =	sadd.s32 @!p1 $0xFFFFFFFD, s17  }
0x23: {  	s14 =	simm.s32 @!p2 $0x0;
	s16 =	simm.s32 @!p3 $0x0;
	p3 =	sgt.s32 @!p1 s18, $0x0  }
0x24: {  	s17 =	ssub.s32 @!p1 $0x4, s17;
	s14 =	smul.u32 @!p1 s16, s14;
	p2 =	por !p3, p1  }
0x25: {  	s16 =	sshll.u32 @!p1 s10, $0xC;
	s18 =	sshll.u32 @!p1 s8, $0x4;
	s17 =	simm.s32 @!p2 $0x0  }
0x26: {  	s16 =	sadd.s32 @!p1 s3, s16;
	s14 =	smul.u32 @!p1 s17, s14;
	s17 =	sshll.u32 @!p1 s9, $0x6  }
0x27: {  	s18 =	sand.u32 @!p1 $0x30, s18;
	s16 =	sadd.s32 @!p1 s17, s16;
	s17 =	simm.s32 @!p1 $0x10  }
0x28: {  	s14 =	sand.u32 @!p1 $0x3FFFFFF0, s14;
	s16 =	sadd.s32 @!p1 s18, s16;
	s18 =	simm.s32 @!p1 $0x8000  }
0x29: {  	[tilespmem:s15], [sflag:$0x1] =	stream.strided.gather @!p1 [hbm4b:s16+s17], s14, s18, s17, $0x38;
	[tilespmem:$0x2020] =	vst v63  }
0x2a: {  	p1 =	seq.s32 s7, $0x0  }
0x2b: {  	p2 =	seq.s32 @!p1 s7, $0x3AF  }
0x2c: {  	p1 =	por p1, p2  }
.Ltmp2:
0x2d: {  	_ = 	snop;
	(pc) =	sbr.rel @p1 .LBB1_5-.Ltmp2, $1  }
0x2e: {  	_ =	sdelay $0x3  }
0x2f: {  	p1 =	sgt.s32 s13, $0x4DA0;
	s14 =	smov.u32 s13  }
0x30: {  	s15 =	sshra.s32 s13, $0x1F;
	s16 =	simm.s32 $0x1;
	s17 =	sshra.s32 s12, $0x1F  }
0x31: {  	p2 =	sgt.s32 s11, $0x3;
	s14 =	simm.s32 @!p1 $0x4DA0;
	s15 =	sand.u32 s15, s13  }
0x32: {  	s19 =	sshra.s32 s11, $0x1F;
	p1 =	sgt.s32 s12, $0x3F;
	s14 =	ssub.s32 s14, s15  }
0x33: {  	s17 =	sand.u32 s17, s12;
	s15 =	smov.u32 s12;
	s14 =	sadd.s32 $0xFFFFB260, s14  }
0x34: {  	s26 =	sand.u32 s19, s11;
	s15 =	simm.s32 @!p1 $0x3F;
	p1 =	sgt.s32 s14, $0x7F  }
0x35: {  	s15 =	ssub.s32 s15, s17;
	s17 =	smov.u32 s11;
	s14 =	sshll.u32 s14, $0x4  }
0x36: {  	s18 =	sadd.s32 $0xFFFFFFC1, s15;
	s17 =	simm.s32 @!p2 $0x3;
	s15 =	ssub.s32 $0x40, s15  }
0x37: {  	s14 =	ssub.s32 $0x800, s14;
	p2 =	sgt.s32 s18, $0x0;
	s17 =	ssub.s32 s17, s26  }
0x38: {  	s14 =	simm.s32 @p1 $0x0;
	s15 =	simm.s32 @p2 $0x0;
	s18 =	sadd.s32 $0xFFFFFFFD, s17  }
0x39: {  	s17 =	ssub.s32 $0x4, s17;
	p1 =	sgt.s32 s18, $0x0;
	s14 =	smul.u32 s15, s14  }
0x3a: {  	s16 =	simm.s32 @!p0 $0x0;
	s17 =	simm.s32 @p1 $0x0  }
0x3b: {  	s27 =	sshll.u32 s16, $0xB;
	s14 =	smul.u32 s17, s14  }
0x3c: {  	v1 =	vmov s27  }
0x3d: {  	s14 =	sand.u32 $0x3FFFFFF0, s14  }
0x3e: {  	_ =	swait.ge [sflag:s4], s14  }
0x3f: {  	s29 =	sand.u32 $0x1, s7;
	s14 =	ssub.s32 $0x0, s14;
	[sflag:s4] =	ssyncset.done $0x0  }
0x40: {  	s31 =	simm.s32 $0x0;
	s28 =	smul.u32 $0x2040, s16;
	[sflag:s4] =	ssyncadd.s32 s14  }
0x41: {  	s16 =	smul.u32 $0x2040, s29;
	v0 =	vld.idx.msk [tilespmem:v1+s31+$0x0 ss:$0x1], $0xffff;
	_ =	sdelay $0x1  }
0x42: {  	s30 =	sshrl.u32 s16, $0x2;
	s15 =	sshrl.u32 s28, $0x2  }
0x43: {  	s16 =	simm.s32 $0x40;
	s15 =	sor.u32 $0x1000, s15;
	s14 =	sor.u32 $0x1000, s30  }
.LBB1_3:
0x44: {  	s17 =	sshra.s32 s16, $0x2;
	p1 =	sne.s32 s16, $0x1FC0;
	s16 =	sadd.s32 $0x40, s16  }
.Ltmp3:
0x45: {  	[tilespmem:s15+$0x0 ss:$0x81] =	vst.msk $0xffff, v0;
	v0 =	vld.idx.msk [tilespmem:v1+s17+$0x0 ss:$0x1], $0xffff;
	(pc) =	sbr.rel @p1 .LBB1_3-.Ltmp3, $2  }
0x46: {  	_ =	sdelay $0x2  }
0x47: {  	s15 =	sadd.s32 $0x1, s15  }
0x48: {  	s16 =	sshll.u32 s13, $0x3  }
0x49: {  	s30 =	sand.u32 $0x7F, s13;
	s16 =	sand.u32 $0xFFFFFC00, s16  }
0x4a: {  	s13 =	sor.u32 s30, s16;
	s16 =	smulhi.u32 $0x342DA7F3, s16  }
0x4b: {  	s17 =	smulhi.u32 $0x342DA7F3, s13  }
0x4c: {  	s12 =	smul.u32 $0x1D700, s12  }
0x4d: {  	s11 =	smul.u32 $0x9D00, s11;
	s16 =	sshrl.u32 s16, $0xC;
	s17 =	sshrl.u32 s17, $0xC  }
0x4e: {  	s16 =	sand.u32 $0xF, s16;
	s17 =	smul.u32 $0x4E80, s17  }
0x4f: {  	s16 =	smul.u32 $0x9D0, s16  }
.Ltmp4:
0x50: {  	s12 =	sadd.s32 s2, s12;
	s13 =	ssub.s32 s13, s17;
	(pc) =	sbr.rel .LBB1_5-.Ltmp4, $4  }
0x51: {  	s11 =	sadd.s32 s11, s12;
	s31 =	sand.u32 $0x7, s13  }
0x52: {  	s11 =	sadd.s32 s16, s11;
	s13 =	sshrl.u32 s13, $0x3;
	s12 =	sshll.u32 s31, $0x12  }
0x53: {  	[tilespmem:s15+$0x0 ss:$0x81] =	vst.msk $0xffff, v0;
	s11 =	sadd.s32 s13, s11;
	s12 =	sor.u32 $0x400, s12  }
0x54: {  	[hbm4b:s11+s12] =	stream.strided.scatter [tilespmem:s14], [sflag:$0x2], $0x800, s6, s12, $0x20;
	[tilespmem:$0x2020] =	vst v63  }
.LBB1_6:
0x55: {  	_ =	sfence.sel $0x180000  }
0x56: {  	s2 =	simm.s32 $0x1;
	[bflag:$0x0] =	sbarrier.arrive $0xFFFF  }
0x57: {  	s31 =	simm.s32 $0x2;
	[sflag:s2] =	ssyncpa.u1 $0x1  }
0x58: {  	[sflag:s31] =	ssyncpa.u1 $0x1  }
0x59: {  	p0 =	sne.s32 s1, $0x0;
	_ =	strace $0x9000004A  }
0x5a: {  	s0 =	sadd.s32 @!p0 $0x100000, s0;
	[bflag:$0x2] =	sbarrier.arrive $0xFFFF  }
0x5b: {  	[sflag:s0] =	ssyncadd.tile.s32 @!p0 $0x1;
	_ =	shalt  }
.Lfunc_end1:
_tile_overlayer_lowered:
.L_overlay_start_2:
0x5c: {  	(tag) =	ssettag $0x2  }
0x5d: {  	s0 =	rddreg [dreg:$0x0];
	s2 =	stileid.u32  }
0x5e: {  	s1 =	rddreg [dreg:$0x1];
	p0 =	sne.s32 s2, $0x0  }
0x5f: {  	s3 =	rddreg [dreg:$0x2];
	[bflag:$0x3] =	sbarrier.arrive $0xFFFF;
	s2 =	simm.s32 @!p0 $0x1C01  }
0x60: {  	[timem:s3], [sflag:s2] =	dma.local @!p0 [hbm:s0], s1  }
0x61: {  	s0 =	simm.s32 @!p0 $0x1  }
0x62: {  	_ =	swait.ge @!p0 [sflag:s0], s1  }
0x63: {  	s1 =	ssub.s32 @!p0 $0x0, s1;
	[sflag:s0] =	ssyncset.done @!p0 $0x0  }
0x64: {  	[sflag:s0] =	ssyncadd.s32 @!p0 s1  }
0x65: {  	[bflag:$0x3] =	sbarrier.arrive $0xFFFF  }
0x66: {  	_ =	shalt  }

// kernel: sparse-core-data-format-call.cloned.1.call-start
scs
called_computation_lowered:
.L_overlay_start_0:
0x0: {  	s2 =	sld [smem:$0x3FD9]  }
0x1: {  	s3 =	sld [smem:$0x3FFE];
	_ =	sdelay $0x1  }
0x2: {  	s1 =	srdreg.scid  }
0x3: {  	s0 =	sand.u32 $0x1, s1  }
0x4: {  	s18 =	sshll.u32 s0, $0xA;
	s2 =	sadd.s32 s3, s2  }
0x5: {  	s2 =	sadd.s32 s2, s18  }
0x6: {  	[smem:$0x3FC6] =	sst s2  }
0x7: {  	_ = 	snop  }
0x8: {  	s2 =	sld [smem:$0x3FD0];
	(tm) =	ssettm $0x1  }
0x9: {  	s19 =	sld [smem:$0x3FFB];
	_ =	sdelay $0x3  }
0xa: {  	_ =	strace s19  }
0xb: {  	s3 =	sld [smem:$0x3FFC];
	_ =	sdelay $0x3  }
0xc: {  	_ =	strace s3  }
0xd: {  	s3 =	sld [smem:$0x3FFD];
	_ =	sdelay $0x3  }
0xe: {  	_ =	strace s3  }
0xf: {  	_ =	strace $0x8FFFFFFF  }
0x10: {  	s20 =	sld [smem:$0x3FDB];
	_ =	sdelay $0x1  }
0x11: {  	s4 =	simm.s32 $_scs_section_size  }
0x12: {  	s5 =	simm.s32 $_size__tile_overlayer_lowered;
	s6 =	simm.s32 $_tile_overlayer_lowered  }
0x13: {  	s23 =	simm.s32 $0x1BFF;
	s22 =	sshll.u32 s6, $0x1;
	s3 =	sadd.s32 s4, s20  }
0x14: {  	s7 =	simm.s32 $0x0;
	s21 =	sshll.u32 s5, $0x1;
	s5 =	sadd.s32 s22, s3  }
0x15: {  	[timem:s7], [sflag:s23] =	dma.local [hbm:s5], s21  }
0x16: {  	_ =	swait.ge [sflag:s23], s21  }
0x17: {  	s4 =	ssub.s32 $0x0, s21;
	[sflag:s23] =	ssyncset.done $0x0  }
0x18: {  	[sflag:s23] =	ssyncadd.s32 s4;
	_ =	sdelay $0x1  }
0x19: {  	s24 =	simm.s32 $0x1B8B  }
0x1a: {  	_ =	swait.ge [sflag:s24], $0x1  }
0x1b: {  	[sflag:s24] =	ssyncset.done $0x0  }
0x1c: {  	s26 =	simm.s32 $0x1B8E;
	s25 =	sld [smem:$0x3FFE];
	[sflag:s24] =	ssyncadd.s32 $0xFFFFFFFF  }
0x1d: {  	s27 =	simm.s32 $execute0_lowered;
	[smem:$0x3FD2] =	sst s26  }
0x1e: {  	s5 =	sshll.u32 s27, $0x1;
	_ =	strace $0x8000004C;
	[dreg:$0x1] =	wrdreg $0xFFFFFFFF  }
0x1f: {  	s28 =	simm.s32 $_size_execute0_lowered;
	s3 =	sadd.s32 s3, s5;
	[dreg:$0x0] =	wrdreg $0x0  }
0x20: {  	s5 =	sshll.u32 s28, $0x1;
	[dreg:$0x2] =	wrdreg s3  }
0x21: {  	[dreg:$0x3] =	wrdreg s5  }
0x22: {  	[dreg:$0x4] =	wrdreg $0xC0  }
0x23: {  	_ =	task [dreg:s7], $0x5FFFF  }
0x24: {  	[dreg:$0x1] =	wrdreg $0xFFFFFFFF  }
0x25: {  	[dreg:$0x0] =	wrdreg $0x60  }
0x26: {  	[dreg:$0x2] =	wrdreg s25  }
0x27: {  	[dreg:$0x3] =	wrdreg s2  }
0x28: {  	[dreg:$0x4] =	wrdreg $0x9  }
0x29: {  	_ =	task.clear_ibuf [dreg:s7], $0x5FFFF;
	_ =	strace $0x9000004C  }
0x2a: {  	s29 =	simm.s32 $0x9;
	_ =	strace $0x8000004E  }
0x2b: {  	_ =	swait.ge [sflag:s29], $0x1  }
0x2c: {  	[sflag:s29] =	ssyncadd.s32 $0xFFFFFFFF  }
0x2d: {  	_ =	strace $0x9000004E  }
0x2e: {  	_ =	sfence  }
0x2f: {  	s30 =	sld [smem:$0x0];
	_ =	sdelay $0x2  }
0x30: {  	s31 =	sshll.u32 s1, $0xD;
	s1 =	sshrl.u32 s1, $0x2  }
0x31: {  	s3 =	sand.u32 $0x4000, s31;
	s1 =	sadd.s32 s1, s30  }
0x32: {  	s0 =	sor.u32 s3, s0;
	s1 =	sshll.u32 s1, $0x11  }
0x33: {  	s0 =	sor.u32 s1, s0  }
0x34: {  	s0 =	sadd.s32 $0x8F2B, s0  }
0x35: {  	[sflag:s0] =	ssyncadd.remote.s32 $0x1  }
0x36: {  	_ =	sfence.sel $0xFFFF  }
0x37: {  	[dreg:$0x0] =	wrdreg $0xFFFFFFFF;
	(pc) =	sbr.abs _section_cstart, $3  }
0x38: {  	[dreg:$0x1] =	wrdreg $0xFFFFFFFF  }
0x39: {  	_ =	task.clear_ibuf [dreg:s7], $0x2FFFF;
	_ =	strace $0x9FFFFFFF  }
0x3a: {  	(tm) =	ssettm $0x7FFFFFFF  }
0x3b: {  	_ =	shalt  }
tec
execute0_lowered:
.L_overlay_start_1:
0x0: {  	(tag) =	ssettag $0x1  }
0x1: {  	s1 =	rddreg [dreg:$0x0]  }
0x2: {  	s2 =	rddreg [dreg:$0x1]  }
0x3: {  	s0 =	rddreg [dreg:$0x2];
	_ =	strace $0x8000004D;
	s4 =	srdreg.scid  }
0x4: {  	s6 =	simm.s32 $0x2;
	s14 =	simm.s32 $0x0;
	p0 =	por $0x0, $0x0  }
0x5: {  	s12 =	simm.s32 $0x0;
	s15 =	simm.s32 $0x0;
	s13 =	simm.s32 $0x0  }
.Ltmp0:
0x6: {  	s8 =	simm.s32 $0x0;
	s9 =	simm.s32 $0x0;
	(pc) =	sbr.rel .LBB1_1-.Ltmp0, $4  }
0x7: {  	s10 =	simm.s32 $0x0;
	s3 =	sadd.s32 $0xC00, s1;
	s5 =	sshll.u32 s4, $0x4  }
0x8: {  	s1 =	stileid.u32;
	s4 =	simm.s32 $0x1;
	s5 =	sand.u32 $0x10, s5  }
0x9: {  	s7 =	simm.s32 $0x0;
	[sflag:s4] =	ssyncpa.u1 $0x0;
	s5 =	sor.u32 s1, s5  }
0xa: {  	[sflag:s6] =	ssyncpa.u1 $0x0;
	s6 =	simm.s32 $0xF00000;
	s11 =	smov.u32 s5  }
.LBB1_7:
0xb: {  	s16 =	sadd.s32 $0x200, s8  }
0xc: {  	s12 =	sadd.s32 $0x4, s9;
	s17 =	smov.u32 s9;
	p2 =	sgt.s32 s16, $0x1387  }
0xd: {  	s17 =	smov.u32 @p2 s12  }
0xe: {  	s18 =	smov.u32 s10;
	s12 =	sadd.s32 $0x8, s10;
	p3 =	sgt.s32 s17, $0x3  }
0xf: {  	s18 =	smov.u32 @p3 s12  }
0x10: {  	s19 =	smov.u32 s11;
	s12 =	sadd.s32 $0x20, s11;
	p4 =	sgt.s32 s18, $0x2F  }
0x11: {  	p1 =	slt.u32 s7, $0x2;
	s19 =	smov.u32 @p4 s12  }
0x12: {  	s7 =	sadd.s32 $0x1, s7;
	s16 =	simm.s32 @p2 $0x0;
	p2 =	sgt.s32 s19, $0x3F  }
0x13: {  	s14 =	smov.u32 s8;
	s19 =	smov.u32 @p2 s5;
	p2 =	sne.s32 s7, $0x7A  }
.Ltmp1:
0x14: {  	s15 =	smov.u32 s10;
	s20 =	simm.s32 @!p1 $0x2;
	(pc) =	sbr.rel @!p2 .LBB1_8-.Ltmp1, $4  }
0x15: {  	s13 =	smov.u32 s11;
	p0 =	por !p0, !p0;
	_ =	swait.ge @!p1 [sflag:s20], $0x4000  }
0x16: {  	[sflag:s20] =	ssyncset.done @!p1 $0x0;
	s8 =	smov.u32 s16;
	s17 =	simm.s32 @p3 $0x0  }
0x17: {  	[sflag:s20] =	ssyncadd.s32 @!p1 $0xFFFFC000;
	s18 =	simm.s32 @p4 $0x0;
	s12 =	smov.u32 s9  }
0x18: {  	s9 =	smov.u32 s17;
	s10 =	smov.u32 s18;
	s11 =	smov.u32 s19  }
.LBB1_1:
0x19: {  	p1 =	sgt.u32 s7, $0x77  }
0x1a: {  	s16 =	sshrl.u32 @!p1 s9, $0x2  }
0x1b: {  	s17 =	sshll.u32 @!p1 s8, $0x2;
	s18 =	sshll.u32 @!p1 s9, $0x7;
	s16 =	smul.u32 @!p1 $0x5000, s16  }
0x1c: {  	s19 =	sand.u32 @!p1 $0x7F, s8;
	s17 =	sand.u32 @!p1 $0xFFFFFE00, s17;
	s18 =	sand.u32 @!p1 $0x180, s18  }
0x1d: {  	s16 =	sadd.s32 @!p1 s16, s17;
	s17 =	sor.u32 @!p1 s19, s18  }
0x1e: {  	s17 =	sor.u32 @!p1 s16, s17  }
0x1f: {  	s18 =	smulhi.u32 @!p1 $0xCCCCCCCD, s17  }
0x20: {  	s16 =	smulhi.u32 @!p1 $0xCCCCCCCD, s16  }
0x21: {  	s20 =	smul.u32 @!p1 $0x1E000, s11;
	s18 =	sshrl.u32 @!p1 s18, $0xC  }
0x22: {  	s19 =	sxor.u32 @!p1 $0xFFFFFFFF, s7;
	s16 =	sshrl.u32 @!p1 s16, $0xC;
	s18 =	smul.u32 @!p1 $0x1400, s18  }
0x23: {  	s21 =	smul.u32 @!p1 $0xA00, s10;
	s19 =	sshll.u32 @!p1 s19, $0xE;
	s16 =	sand.u32 @!p1 $0x3, s16  }
0x24: {  	s16 =	smul.u32 @!p1 $0x280, s16;
	s17 =	ssub.s32 @!p1 s17, s18;
	s18 =	sadd.s32 @!p1 s3, s20  }
0x25: {  	s19 =	sand.u32 @!p1 $0x4000, s19;
	s18 =	sadd.s32 @!p1 s21, s18;
	s20 =	sand.u32 @!p1 $0x7, s17  }
0x26: {  	s17 =	sshrl.u32 @!p1 s17, $0x3;
	s16 =	sadd.s32 @!p1 s16, s18;
	s18 =	sshll.u32 @!p1 s20, $0x12  }
0x27: {  	s16 =	sadd.s32 @!p1 s17, s16;
	s17 =	sor.u32 @!p1 $0x800, s18;
	s18 =	simm.s32 @!p1 $0x5000  }
0x28: {  	[tilespmem:s19], [sflag:$0x1] =	stream.strided.gather @!p1 [hbm4b:s16+s17], $0x4000, s18, s17, $0x38;
	[tilespmem:$0x10000] =	vst v63  }
0x29: {  	p1 =	seq.s32 s7, $0x0  }
0x2a: {  	p2 =	seq.s32 @!p1 s7, $0x79  }
0x2b: {  	p1 =	por p1, p2  }
.Ltmp2:
0x2c: {  	_ = 	snop;
	(pc) =	sbr.rel @p1 .LBB1_7-.Ltmp2, $1  }
0x2d: {  	_ =	sdelay $0x3  }
0x2e: {  	s16 =	simm.s32 $0x1  }
0x2f: {  	_ =	swait.ge [sflag:s4], $0x4000;
	s31 =	sshll.u32 s7, $0xE;
	s16 =	simm.s32 @!p0 $0x0  }
0x30: {  	s20 =	simm.s32 $0x0;
	s21 =	simm.s32 $0x0;
	s16 =	sshll.u32 s16, $0x10  }
0x31: {  	s22 =	simm.s32 $0x0;
	[sflag:s4] =	ssyncset.done $0x0;
	s19 =	sshrl.u32 s16, $0x2  }
0x32: {  	[sflag:s4] =	ssyncadd.s32 $0xFFFFC000;
	s16 =	sand.u32 $0x4000, s31;
	s17 =	sor.u32 $0x400, s19  }
0x33: {  	s18 =	sor.u32 $0x8000, s19;
	s16 =	sor.u32 $0x8000, s16;
	s19 =	sadd.s32 $0x8C00, s19  }
.LBB1_3:
0x34: {  	v0 =	vmov s18;
	v1 =	vld [tilespmem:s17+$0x270]  }
0x35: {  	v2 =	vld [tilespmem:s17+$0xFFFFFC10]  }
0x36: {  	v3 =	vld [tilespmem:s17+$0xFFFFFC20]  }
0x37: {  	s23 =	sshll.u32 s21, $0x2;
	s24 =	sand.u32 $0x3, s20;
	v4 =	vld [tilespmem:s17+$0xFFFFFC30]  }
0x38: {  	v5 =	vld [tilespmem:s17+$0xFFFFFC40];
	s25 =	sand.u32 $0xFFFFF800, s23;
	s24 =	sshll.u32 s24, $0x9;
	s23 =	simm.s32 $0x0  }
0x39: {  	v6 =	vld [tilespmem:s17+$0xFFFFFC50];
	s24 =	sor.u32 s24, s25;
	[tilespmem:v0+s23+$0xC70 ss:$0x1] =	vst.idx.msk $0xffff, v1  }
0x3a: {  	v7 =	vld [tilespmem:s17+$0x220];
	s24 =	sshrl.u32 s24, $0x2;
	[tilespmem:v0+s23+$0x10 ss:$0x1] =	vst.idx.msk $0xffff, v2  }
0x3b: {  	v8 =	vld [tilespmem:s17+$0x230];
	s24 =	sadd.s32 s24, s19;
	[tilespmem:v0+s23+$0x20 ss:$0x1] =	vst.idx.msk $0xffff, v3  }
0x3c: {  	v1 =	vmov s24;
	[tilespmem:v0+s23+$0x30 ss:$0x1] =	vst.idx.msk $0xffff, v4;
	v4 =	vld [tilespmem:s17+$0xFFFFFE00]  }
0x3d: {  	[tilespmem:v0+s23+$0x40 ss:$0x1] =	vst.idx.msk $0xffff, v5;
	v5 =	vld [tilespmem:s17+$0xFFFFFE10]  }
0x3e: {  	[tilespmem:v0+s23+$0x50 ss:$0x1] =	vst.idx.msk $0xffff, v6;
	v6 =	vld [tilespmem:s17+$0xFFFFFE20]  }
0x3f: {  	v2 =	vld [tilespmem:s17+$0xFFFFFC60];
	[tilespmem:v0+s23+$0xC20 ss:$0x1] =	vst.idx.msk $0xffff, v7  }
0x40: {  	v3 =	vld [tilespmem:s17+$0xFFFFFC70];
	[tilespmem:v0+s23+$0xC30 ss:$0x1] =	vst.idx.msk $0xffff, v8  }
0x41: {  	[tilespmem:v1+s23+$0xFFFFF800 ss:$0x1] =	vst.idx.msk $0xffff, v4;
	v4 =	vld [tilespmem:s17+$0xFFFFFE50]  }
0x42: {  	[tilespmem:v0+s23+$0x410 ss:$0x1] =	vst.idx.msk $0xffff, v5;
	v5 =	vld [tilespmem:s17+$0xFFFFFE60]  }
0x43: {  	[tilespmem:v0+s23+$0x420 ss:$0x1] =	vst.idx.msk $0xffff, v6;
	v6 =	vld [tilespmem:s17+$0xFFFFFE70]  }
0x44: {  	[tilespmem:v0+s23+$0x60 ss:$0x1] =	vst.idx.msk $0xffff, v2;
	v2 =	vld [tilespmem:s17+$0xFFFFFE30]  }
0x45: {  	[tilespmem:v0+s23+$0x70 ss:$0x1] =	vst.idx.msk $0xffff, v3;
	v3 =	vld [tilespmem:s17+$0xFFFFFE40]  }
0x46: {  	[tilespmem:v0+s23+$0x450 ss:$0x1] =	vst.idx.msk $0xffff, v4;
	v4 =	vld [tilespmem:s17+$0x20]  }
0x47: {  	[tilespmem:v0+s23+$0x460 ss:$0x1] =	vst.idx.msk $0xffff, v5;
	v5 =	vld [tilespmem:s17+$0x30]  }
0x48: {  	[tilespmem:v0+s23+$0x470 ss:$0x1] =	vst.idx.msk $0xffff, v6;
	v6 =	vld [tilespmem:s17+$0x40]  }
0x49: {  	[tilespmem:v0+s23+$0x430 ss:$0x1] =	vst.idx.msk $0xffff, v2;
	v2 =	vld [tilespmem:s17+$0x0]  }
0x4a: {  	[tilespmem:v0+s23+$0x440 ss:$0x1] =	vst.idx.msk $0xffff, v3;
	v3 =	vld [tilespmem:s17+$0x10]  }
0x4b: {  	[tilespmem:v0+s23+$0x820 ss:$0x1] =	vst.idx.msk $0xffff, v4;
	v4 =	vld [tilespmem:s17+$0x70]  }
0x4c: {  	[tilespmem:v0+s23+$0x830 ss:$0x1] =	vst.idx.msk $0xffff, v5;
	v5 =	vld [tilespmem:s17+$0x200]  }
0x4d: {  	[tilespmem:v0+s23+$0x840 ss:$0x1] =	vst.idx.msk $0xffff, v6;
	v6 =	vld [tilespmem:s17+$0x210]  }
0x4e: {  	[tilespmem:v1+s23+$0xFFFFFC00 ss:$0x1] =	vst.idx.msk $0xffff, v2;
	v2 =	vld [tilespmem:s17+$0x50]  }
0x4f: {  	[tilespmem:v0+s23+$0x810 ss:$0x1] =	vst.idx.msk $0xffff, v3;
	v3 =	vld [tilespmem:s17+$0x60]  }
0x50: {  	[tilespmem:v0+s23+$0x870 ss:$0x1] =	vst.idx.msk $0xffff, v4;
	v4 =	vld [tilespmem:s17+$0x240]  }
0x51: {  	[tilespmem:v1+s23+$0x0 ss:$0x1] =	vst.idx.msk $0xffff, v5;
	v5 =	vld [tilespmem:s17+$0x250]  }
0x52: {  	[tilespmem:v0+s23+$0xC10 ss:$0x1] =	vst.idx.msk $0xffff, v6;
	v6 =	vld [tilespmem:s17+$0x260]  }
0x53: {  	s24 =	sadd.s32 $0x80, s17;
	[tilespmem:v0+s23+$0x850 ss:$0x1] =	vst.idx.msk $0xffff, v2;
	v2 =	vld [tilespmem:s17+$0xFFFFFC00]  }
0x54: {  	s26 =	simm.s32 $0x8000;
	s25 =	simm.s32 $0x4000;
	[tilespmem:v0+s23+$0x860 ss:$0x1] =	vst.idx.msk $0xffff, v3;
	v3 =	vld [tilespmem:s24+$0x270]  }
.LBB1_4:
0x55: {  	p1 =	sne.s32 s26, $0xC000;
	v7 =	vld [tilespmem:s24+$0xFFFFFC10];
	[tilespmem:v0+s23+$0xC40 ss:$0x1] =	vst.idx.msk $0xffff, v4  }
0x56: {  	v4 =	vld [tilespmem:s24+$0xFFFFFC20];
	[tilespmem:v0+s23+$0xC50 ss:$0x1] =	vst.idx.msk $0xffff, v5  }
0x57: {  	v5 =	vld [tilespmem:s24+$0xFFFFFC30];
	[tilespmem:v0+s23+$0xC60 ss:$0x1] =	vst.idx.msk $0xffff, v6  }
0x58: {  	v6 =	vld [tilespmem:s24+$0xFFFFFC40];
	[tilespmem:v0+s23+$0x0 ss:$0x1] =	vst.idx.msk $0xffff, v2;
	s23 =	sshra.s32 s25, $0x2;
	s25 =	smov.u32 s26  }
0x59: {  	v2 =	vld [tilespmem:s24+$0xFFFFFC50];
	[tilespmem:v0+s23+$0xC70 ss:$0x1] =	vst.idx.msk $0xffff, v3  }
0x5a: {  	[tilespmem:v0+s23+$0x10 ss:$0x1] =	vst.idx.msk $0xffff, v7;
	v3 =	vld [tilespmem:s24+$0xFFFFFC60]  }
0x5b: {  	[tilespmem:v0+s23+$0x20 ss:$0x1] =	vst.idx.msk $0xffff, v4;
	v4 =	vld [tilespmem:s24+$0xFFFFFC70]  }
0x5c: {  	[tilespmem:v0+s23+$0x30 ss:$0x1] =	vst.idx.msk $0xffff, v5;
	v5 =	vld [tilespmem:s24+$0xFFFFFE00]  }
0x5d: {  	[tilespmem:v0+s23+$0x40 ss:$0x1] =	vst.idx.msk $0xffff, v6;
	v6 =	vld [tilespmem:s24+$0xFFFFFE10]  }
0x5e: {  	[tilespmem:v0+s23+$0x50 ss:$0x1] =	vst.idx.msk $0xffff, v2;
	v2 =	vld [tilespmem:s24+$0xFFFFFE20]  }
0x5f: {  	[tilespmem:v0+s23+$0x60 ss:$0x1] =	vst.idx.msk $0xffff, v3;
	v3 =	vld [tilespmem:s24+$0xFFFFFE30]  }
0x60: {  	[tilespmem:v0+s23+$0x70 ss:$0x1] =	vst.idx.msk $0xffff, v4;
	v4 =	vld [tilespmem:s24+$0xFFFFFE40]  }
0x61: {  	[tilespmem:v1+s23+$0xFFFFF800 ss:$0x1] =	vst.idx.msk $0xffff, v5;
	v5 =	vld [tilespmem:s24+$0xFFFFFE50]  }
0x62: {  	[tilespmem:v0+s23+$0x410 ss:$0x1] =	vst.idx.msk $0xffff, v6;
	v6 =	vld [tilespmem:s24+$0xFFFFFE60]  }
0x63: {  	[tilespmem:v0+s23+$0x420 ss:$0x1] =	vst.idx.msk $0xffff, v2;
	v2 =	vld [tilespmem:s24+$0xFFFFFE70]  }
0x64: {  	[tilespmem:v0+s23+$0x430 ss:$0x1] =	vst.idx.msk $0xffff, v3;
	v3 =	vld [tilespmem:s24+$0x0]  }
0x65: {  	[tilespmem:v0+s23+$0x440 ss:$0x1] =	vst.idx.msk $0xffff, v4;
	v4 =	vld [tilespmem:s24+$0x10]  }
0x66: {  	[tilespmem:v0+s23+$0x450 ss:$0x1] =	vst.idx.msk $0xffff, v5;
	v5 =	vld [tilespmem:s24+$0x20]  }
0x67: {  	[tilespmem:v0+s23+$0x460 ss:$0x1] =	vst.idx.msk $0xffff, v6;
	v6 =	vld [tilespmem:s24+$0x30]  }
0x68: {  	[tilespmem:v0+s23+$0x470 ss:$0x1] =	vst.idx.msk $0xffff, v2;
	v2 =	vld [tilespmem:s24+$0x40]  }
0x69: {  	[tilespmem:v1+s23+$0xFFFFFC00 ss:$0x1] =	vst.idx.msk $0xffff, v3;
	v3 =	vld [tilespmem:s24+$0x50]  }
0x6a: {  	[tilespmem:v0+s23+$0x810 ss:$0x1] =	vst.idx.msk $0xffff, v4;
	v4 =	vld [tilespmem:s24+$0x60]  }
0x6b: {  	[tilespmem:v0+s23+$0x820 ss:$0x1] =	vst.idx.msk $0xffff, v5;
	v5 =	vld [tilespmem:s24+$0x70]  }
0x6c: {  	[tilespmem:v0+s23+$0x830 ss:$0x1] =	vst.idx.msk $0xffff, v6;
	v6 =	vld [tilespmem:s24+$0x200]  }
0x6d: {  	[tilespmem:v0+s23+$0x840 ss:$0x1] =	vst.idx.msk $0xffff, v2;
	v2 =	vld [tilespmem:s24+$0x210]  }
0x6e: {  	[tilespmem:v0+s23+$0x850 ss:$0x1] =	vst.idx.msk $0xffff, v3;
	v3 =	vld [tilespmem:s24+$0x220]  }
0x6f: {  	[tilespmem:v0+s23+$0x860 ss:$0x1] =	vst.idx.msk $0xffff, v4;
	v7 =	vld [tilespmem:s24+$0x230]  }
.Ltmp3:
0x70: {  	[tilespmem:v0+s23+$0x870 ss:$0x1] =	vst.idx.msk $0xffff, v5;
	v4 =	vld [tilespmem:s24+$0x240];
	(pc) =	sbr.rel @p1 .LBB1_4-.Ltmp3, $4  }
0x71: {  	[tilespmem:v1+s23+$0x0 ss:$0x1] =	vst.idx.msk $0xffff, v6;
	v5 =	vld [tilespmem:s24+$0x250]  }
0x72: {  	[tilespmem:v0+s23+$0xC10 ss:$0x1] =	vst.idx.msk $0xffff, v2;
	v6 =	vld [tilespmem:s24+$0x260]  }
0x73: {  	v2 =	vld [tilespmem:s24+$0xFFFFFC00];
	[tilespmem:v0+s23+$0xC20 ss:$0x1] =	vst.idx.msk $0xffff, v3;
	s24 =	sadd.s32 $0x80, s24  }
0x74: {  	s26 =	sadd.s32 $0x4000, s26;
	v3 =	vld [tilespmem:s24+$0x270];
	[tilespmem:v0+s23+$0xC30 ss:$0x1] =	vst.idx.msk $0xffff, v7  }
0x75: {  	_ =	sdelay $0x3  }
0x76: {  	v7 =	vld [tilespmem:s24+$0xFFFFFC10];
	[tilespmem:v0+s23+$0xC40 ss:$0x1] =	vst.idx.msk $0xffff, v4  }
0x77: {  	v34 =	vld [tilespmem:s24+$0xFFFFFC20];
	[tilespmem:v0+s23+$0xC50 ss:$0x1] =	vst.idx.msk $0xffff, v5  }
0x78: {  	v35 =	vld [tilespmem:s24+$0xFFFFFC30];
	[tilespmem:v0+s23+$0xC60 ss:$0x1] =	vst.idx.msk $0xffff, v6  }
0x79: {  	s25 =	sshra.s32 s25, $0x2;
	v36 =	vld [tilespmem:s24+$0xFFFFFC40];
	[tilespmem:v0+s23+$0x0 ss:$0x1] =	vst.idx.msk $0xffff, v2  }
0x7a: {  	v37 =	vld [tilespmem:s24+$0xFFFFFC50];
	[tilespmem:v0+s25+$0xC70 ss:$0x1] =	vst.idx.msk $0xffff, v3  }
0x7b: {  	v38 =	vld [tilespmem:s24+$0xFFFFFC60];
	[tilespmem:v0+s25+$0x10 ss:$0x1] =	vst.idx.msk $0xffff, v7  }
0x7c: {  	v39 =	vld [tilespmem:s24+$0xFFFFFC70];
	[tilespmem:v0+s25+$0x20 ss:$0x1] =	vst.idx.msk $0xffff, v34  }
0x7d: {  	v40 =	vld [tilespmem:s24+$0xFFFFFE00];
	[tilespmem:v0+s25+$0x30 ss:$0x1] =	vst.idx.msk $0xffff, v35  }
0x7e: {  	v41 =	vld [tilespmem:s24+$0xFFFFFE10];
	[tilespmem:v0+s25+$0x40 ss:$0x1] =	vst.idx.msk $0xffff, v36  }
0x7f: {  	v42 =	vld [tilespmem:s24+$0xFFFFFE20];
	[tilespmem:v0+s25+$0x50 ss:$0x1] =	vst.idx.msk $0xffff, v37  }
0x80: {  	v43 =	vld [tilespmem:s24+$0xFFFFFE30];
	[tilespmem:v0+s25+$0x60 ss:$0x1] =	vst.idx.msk $0xffff, v38  }
0x81: {  	v44 =	vld [tilespmem:s24+$0xFFFFFE40];
	[tilespmem:v0+s25+$0x70 ss:$0x1] =	vst.idx.msk $0xffff, v39  }
0x82: {  	v45 =	vld [tilespmem:s24+$0xFFFFFE50];
	[tilespmem:v1+s25+$0xFFFFF800 ss:$0x1] =	vst.idx.msk $0xffff, v40  }
0x83: {  	v46 =	vld [tilespmem:s24+$0xFFFFFE60];
	[tilespmem:v0+s25+$0x410 ss:$0x1] =	vst.idx.msk $0xffff, v41  }
0x84: {  	v47 =	vld [tilespmem:s24+$0xFFFFFE70];
	[tilespmem:v0+s25+$0x420 ss:$0x1] =	vst.idx.msk $0xffff, v42  }
0x85: {  	v48 =	vld [tilespmem:s24+$0x0];
	[tilespmem:v0+s25+$0x430 ss:$0x1] =	vst.idx.msk $0xffff, v43  }
0x86: {  	v49 =	vld [tilespmem:s24+$0x10];
	[tilespmem:v0+s25+$0x440 ss:$0x1] =	vst.idx.msk $0xffff, v44  }
0x87: {  	v50 =	vld [tilespmem:s24+$0x20];
	[tilespmem:v0+s25+$0x450 ss:$0x1] =	vst.idx.msk $0xffff, v45  }
0x88: {  	v51 =	vld [tilespmem:s24+$0x30];
	[tilespmem:v0+s25+$0x460 ss:$0x1] =	vst.idx.msk $0xffff, v46  }
0x89: {  	v52 =	vld [tilespmem:s24+$0x40];
	[tilespmem:v0+s25+$0x470 ss:$0x1] =	vst.idx.msk $0xffff, v47  }
0x8a: {  	v53 =	vld [tilespmem:s24+$0x50];
	[tilespmem:v1+s25+$0xFFFFFC00 ss:$0x1] =	vst.idx.msk $0xffff, v48  }
0x8b: {  	v54 =	vld [tilespmem:s24+$0x60];
	[tilespmem:v0+s25+$0x810 ss:$0x1] =	vst.idx.msk $0xffff, v49  }
0x8c: {  	v55 =	vld [tilespmem:s24+$0x70];
	[tilespmem:v0+s25+$0x820 ss:$0x1] =	vst.idx.msk $0xffff, v50  }
0x8d: {  	v56 =	vld [tilespmem:s24+$0x200];
	[tilespmem:v0+s25+$0x830 ss:$0x1] =	vst.idx.msk $0xffff, v51  }
0x8e: {  	v57 =	vld [tilespmem:s24+$0x210];
	[tilespmem:v0+s25+$0x840 ss:$0x1] =	vst.idx.msk $0xffff, v52  }
0x8f: {  	v58 =	vld [tilespmem:s24+$0x220];
	[tilespmem:v0+s25+$0x850 ss:$0x1] =	vst.idx.msk $0xffff, v53  }
0x90: {  	v59 =	vld [tilespmem:s24+$0x230];
	[tilespmem:v0+s25+$0x860 ss:$0x1] =	vst.idx.msk $0xffff, v54  }
0x91: {  	v60 =	vld [tilespmem:s24+$0x240];
	[tilespmem:v0+s25+$0x870 ss:$0x1] =	vst.idx.msk $0xffff, v55  }
0x92: {  	v61 =	vld [tilespmem:s24+$0x250];
	[tilespmem:v1+s25+$0x0 ss:$0x1] =	vst.idx.msk $0xffff, v56  }
0x93: {  	v62 =	vld [tilespmem:s24+$0x260];
	s22 =	sadd.s32 $0x1, s22;
	[tilespmem:v0+s25+$0xC10 ss:$0x1] =	vst.idx.msk $0xffff, v57  }
0x94: {  	v63 =	vld [tilespmem:s24+$0xFFFFFC00];
	p1 =	sne.s32 s22, $0x8;
	[tilespmem:v0+s25+$0xC20 ss:$0x1] =	vst.idx.msk $0xffff, v58  }
.Ltmp4:
0x95: {  	[tilespmem:v0+s25+$0xC30 ss:$0x1] =	vst.idx.msk $0xffff, v59;
	(pc) =	sbr.rel @p1 .LBB1_3-.Ltmp4, $4  }
0x96: {  	[tilespmem:v0+s25+$0xC40 ss:$0x1] =	vst.idx.msk $0xffff, v60  }
0x97: {  	[tilespmem:v0+s25+$0xC50 ss:$0x1] =	vst.idx.msk $0xffff, v61  }
0x98: {  	s17 =	sadd.s32 $0x800, s17;
	[tilespmem:v0+s25+$0xC60 ss:$0x1] =	vst.idx.msk $0xffff, v62  }
0x99: {  	s21 =	sadd.s32 $0x80, s21;
	s20 =	sadd.s32 $0x1, s20;
	s18 =	sadd.s32 $0x80, s18;
	[tilespmem:v0+s25+$0x0 ss:$0x1] =	vst.idx.msk $0xffff, v63  }
0x9a: {  	s17 =	sshrl.u32 s15, $0x3  }
0x9b: {  	s18 =	sshll.u32 s14, $0x3;
	s17 =	smul.u32 $0xA000, s17  }
0x9c: {  	s18 =	sand.u32 $0xFFFFFC00, s18  }
0x9d: {  	s17 =	sadd.s32 s17, s18  }
0x9e: {  	s26 =	sshll.u32 s15, $0x7;
	s28 =	smulhi.u32 $0xCCCCCCCD, s17  }
0x9f: {  	s27 =	sand.u32 $0x7F, s14;
	s15 =	sand.u32 $0x380, s26  }
0xa0: {  	s13 =	smul.u32 $0x7800, s13;
	s14 =	sor.u32 s15, s27;
	s15 =	sshrl.u32 s28, $0xC  }
0xa1: {  	s14 =	sor.u32 s17, s14;
	s30 =	smulhi.u32 $0x5555556, s15  }
0xa2: {  	s29 =	smulhi.u32 $0xCCCCCCCD, s14  }
0xa3: {  	s18 =	smul.u32 $0x30, s30  }
0xa4: {  	s12 =	smul.u32 $0x1E0000, s12;
	s17 =	sshrl.u32 s29, $0xC  }
0xa5: {  	s17 =	smul.u32 $0x1400, s17;
	s15 =	ssub.s32 s15, s18  }
0xa6: {  	s15 =	smul.u32 $0x280, s15  }
.Ltmp5:
0xa7: {  	s13 =	sadd.s32 s2, s13;
	s14 =	ssub.s32 s14, s17;
	(pc) =	sbr.rel .LBB1_7-.Ltmp5, $4  }
0xa8: {  	s12 =	sadd.s32 s12, s13;
	s31 =	sand.u32 $0x7, s14  }
0xa9: {  	s14 =	sshrl.u32 s14, $0x3;
	s13 =	sshll.u32 s31, $0x12;
	s12 =	sadd.s32 s15, s12  }
0xaa: {  	s13 =	sor.u32 $0x1000, s13;
	s12 =	sadd.s32 s14, s12  }
0xab: {  	[hbm4b:s12+s13] =	stream.strided.scatter [tilespmem:s16], [sflag:$0x2], $0x4000, s6, s13, $0x38;
	[tilespmem:$0x10000] =	vst v63  }
.LBB1_8:
0xac: {  	_ =	sfence.sel $0x180000  }
0xad: {  	s2 =	simm.s32 $0x1;
	[bflag:$0x0] =	sbarrier.arrive $0xFFFF  }
0xae: {  	s31 =	simm.s32 $0x2;
	[sflag:s2] =	ssyncpa.u1 $0x1  }
0xaf: {  	[sflag:s31] =	ssyncpa.u1 $0x1  }
0xb0: {  	p0 =	sne.s32 s1, $0x0;
	_ =	strace $0x9000004D  }
0xb1: {  	s0 =	sadd.s32 @!p0 $0x100000, s0;
	[bflag:$0x2] =	sbarrier.arrive $0xFFFF  }
0xb2: {  	[sflag:s0] =	ssyncadd.tile.s32 @!p0 $0x1;
	_ =	shalt  }
.Lfunc_end1:
_tile_overlayer_lowered:
.L_overlay_start_2:
0xb3: {  	(tag) =	ssettag $0x2  }
0xb4: {  	s0 =	rddreg [dreg:$0x0];
	s2 =	stileid.u32  }
0xb5: {  	s1 =	rddreg [dreg:$0x1];
	p0 =	sne.s32 s2, $0x0  }
0xb6: {  	s3 =	rddreg [dreg:$0x2];
	[bflag:$0x3] =	sbarrier.arrive $0xFFFF;
	s2 =	simm.s32 @!p0 $0x1C01  }
0xb7: {  	[timem:s3], [sflag:s2] =	dma.local @!p0 [hbm:s0], s1  }
0xb8: {  	s0 =	simm.s32 @!p0 $0x1  }
0xb9: {  	_ =	swait.ge @!p0 [sflag:s0], s1  }
0xba: {  	s1 =	ssub.s32 @!p0 $0x0, s1;
	[sflag:s0] =	ssyncset.done @!p0 $0x0  }
0xbb: {  	[sflag:s0] =	ssyncadd.s32 @!p0 s1  }
0xbc: {  	[bflag:$0x3] =	sbarrier.arrive $0xFFFF  }
0xbd: {  	_ =	shalt  }

</sc_bundles>
